<compile_context>
chip_gen: v7x
topology: tpu7x:2x2x1
jax: 0.10.2.dev20260603
libtpu: 0.0.44.dev20260713+nightly
codegen_flags: <defaults>
</compile_context>

<pallas_src>
import functools

import jax
import jax.numpy as jnp
from jax import lax
from jax.experimental import pallas as pl
from jax.experimental.pallas import tpu as pltpu
from jax.experimental.pallas import tpu_sc as plsc

NUM_NODES = 10000
NUM_EDGES = 320000

NC = 2
NS = 16
NW = NC * NS
L = 16

EPW = NUM_EDGES // NW
HIST_SLICE = 2 * NUM_EDGES // NS
HBINS = 10240
CHUNK = HBINS // NS


def _tile_body(edge_hbm, out_hbm, idx_v, hist_v, red_v, gch_v, out_v,
               lhist_sp, ghist_sp):
    c = lax.axis_index("c")
    s = lax.axis_index("s")
    wid = s * NC + c
    row = s // 8
    col = (s % 8) * HIST_SLICE

    zeros = jnp.zeros((L,), jnp.int32)
    ones = jnp.full((L,), 1, jnp.int32)

    def _zero(j, carry):
        for u in range(8):
            hist_v[pl.ds(j * (8 * L) + u * L, L)] = zeros
        return carry

    lax.fori_loop(0, HBINS // (8 * L), _zero, 0)

    pltpu.sync_copy(edge_hbm.at[row, pl.ds(col, HIST_SLICE)], idx_v)

    def _hist(i, carry):
        for u in range(4):
            v = idx_v[pl.ds(i * (4 * L) + u * L, L)]
            plsc.addupdate_scatter(hist_v, [v], ones)
        return carry

    lax.fori_loop(0, HIST_SLICE // (4 * L), _hist, 0)

    pltpu.sync_copy(hist_v, lhist_sp.at[s])
    plsc.subcore_barrier()

    for t in range(NS):
        pltpu.sync_copy(lhist_sp.at[t, pl.ds(s * CHUNK, CHUNK)],
                        red_v.at[pl.ds(t * CHUNK, CHUNK)])

    def _reduce(k, carry):
        acc = zeros
        for t in range(NS):
            acc = acc + red_v[pl.ds(t * CHUNK + k * L, L)]
        gch_v[pl.ds(k * L, L)] = acc
        return carry

    lax.fori_loop(0, CHUNK // L, _reduce, 0)

    pltpu.sync_copy(gch_v, ghist_sp.at[pl.ds(s * CHUNK, CHUNK)])
    plsc.subcore_barrier()

    pltpu.sync_copy(ghist_sp, hist_v)

    base = wid * EPW
    pltpu.sync_copy(edge_hbm.at[0, pl.ds(base, EPW)], idx_v.at[pl.ds(0, EPW)])
    pltpu.sync_copy(edge_hbm.at[1, pl.ds(base, EPW)],
                    idx_v.at[pl.ds(EPW, EPW)])

    half = jnp.full((L,), 0.5, jnp.float32)
    threehalf = jnp.full((L,), 1.5, jnp.float32)
    magic = jnp.full((L,), 0x5F3759DF, jnp.int32)

    def _gather(i, carry):
        for u in range(5):
            off = i * (5 * L) + u * L
            sv = idx_v[pl.ds(off, L)]
            dv = idx_v[pl.ds(EPW + off, L)]
            cs = plsc.load_gather(hist_v, [sv])
            cd = plsc.load_gather(hist_v, [dv])
            x = (cs + cd).astype(jnp.float32)
            yi = magic - (plsc.bitcast(x, jnp.int32) >> 1)
            y = plsc.bitcast(yi, jnp.float32)
            for _ in range(2):
                y = y * (threehalf - half * x * y * y)
            out_v[pl.ds(off, L)] = y
        return carry

    lax.fori_loop(0, EPW // (5 * L), _gather, 0)

    pltpu.sync_copy(out_v, out_hbm.at[pl.ds(base, EPW)])


_edge_weight = functools.partial(
    pl.kernel,
    out_type=jax.ShapeDtypeStruct((NUM_EDGES,), jnp.float32),
    mesh=plsc.VectorSubcoreMesh(core_axis_name="c", subcore_axis_name="s"),
    compiler_params=pltpu.CompilerParams(needs_layout_passes=False,
                                         use_tc_tiling_on_sc=False),
    scratch_types=[
        pltpu.VMEM((HIST_SLICE,), jnp.int32),
        pltpu.VMEM((HBINS,), jnp.int32),
        pltpu.VMEM((HBINS,), jnp.int32),
        pltpu.VMEM((CHUNK,), jnp.int32),
        pltpu.VMEM((EPW,), jnp.float32),
        pltpu.VMEM_SHARED((NS, HBINS), jnp.int32),
        pltpu.VMEM_SHARED((HBINS,), jnp.int32),
    ],
)(_tile_body)


MSG_BLOCK = 16000


def _copy_body(m_ref, o_ref):
    o_ref[...] = m_ref[...]


_msg_copy = pl.pallas_call(
    _copy_body,
    grid=(NUM_EDGES // MSG_BLOCK,),
    in_specs=[pl.BlockSpec((MSG_BLOCK, 128), lambda i: (i, 0))],
    out_specs=pl.BlockSpec((MSG_BLOCK, 128), lambda i: (i, 0)),
    out_shape=jax.ShapeDtypeStruct((NUM_EDGES, 128), jnp.float32),
)


def kernel(edge_index, message, x_e):
    edge_weight = _edge_weight(edge_index)
    message_out = _msg_copy(message)
    return message_out, edge_weight

# --- scband reference (transcript-rebuilt; emitter-appended) ---
"""Pipeline reference for scband-symmetric-message-weighting-43533788512904 (READ-ONLY COPY).

The authoritative reference and input builder live on the scoring server;
editing this copy changes nothing except your own understanding.
"""

import jax, jax.numpy as jnp
import numpy as np

NUM_NODES = 10000
NUM_EDGES = 320000
DIM = 128


def setup_inputs(seed: int = 0) -> dict:
    key = jax.random.key(seed)
    k1, k2, k3 = jax.random.split(key, 3)
    # int32 used to avoid x64-flag issues; values are identical in-range node ids
    edge_index = jax.random.randint(k1, (2, NUM_EDGES), 0, NUM_NODES)
    message = jax.random.normal(k2, (NUM_EDGES, DIM), dtype=jnp.float32)
    x_e = jax.random.normal(k3, (NUM_NODES, DIM), dtype=jnp.float32)
    return {"edge_index": edge_index, "message": message, "x_e": x_e}


def reference(edge_index, message, x_e):
    # Undirected branch (directed=False):
    # torch: uniq, inverse_idx, count = edge_index.unique(return_counts=True, return_inverse=True)
    #        edge_weight = count[inverse_idx].sum(dim=0).float().pow(-0.5)
    # count[inverse_idx] maps each entry of edge_index to the total number of
    # occurrences of that node id across the flattened (2, E) tensor, which is
    # exactly a histogram (bincount) lookup.
    num_nodes = x_e.shape[0]
    counts = jnp.bincount(edge_index.reshape(-1), length=num_nodes)  # occurrence histogram
    count_per_entry = counts[edge_index]  # (2, E) gather
    edge_weight = jnp.power(count_per_entry.sum(axis=0).astype(jnp.float32), -0.5)  # (E,)
    return message, edge_weight

if __name__ == "__main__":
    import jax
    _d = setup_inputs()
    print(jax.jit(kernel)(*tuple(_d.values())))

</pallas_src>

<mosaic_0001>
#map = affine_map<(d0, d1) -> (0, 0)>
#map1 = affine_map<(d0, d1) -> (0)>
module attributes {stable_mosaic.version = 14 : i64} {
  func.func @_tile_body(%arg0: i32, %arg1: i32, %arg2: memref<2x320000xi32, #tpu.memory_space<hbm>>, %arg3: memref<320000xf32, #tpu.memory_space<hbm>>, %arg4: memref<40000xi32, #tpu.memory_space<vmem>>, %arg5: memref<10240xi32, #tpu.memory_space<vmem>>, %arg6: memref<10240xi32, #tpu.memory_space<vmem>>, %arg7: memref<640xi32, #tpu.memory_space<vmem>>, %arg8: memref<10000xf32, #tpu.memory_space<vmem>>, %arg9: memref<16x10240xi32, #tpu.memory_space<vmem_shared>>, %arg10: memref<10240xi32, #tpu.memory_space<vmem_shared>>) attributes {dimension_semantics = [#tpu.dimension_semantics<core_parallel>, #tpu.dimension_semantics<subcore_parallel>], iteration_bounds = array<i64: 2, 16>, scalar_prefetch = 0 : i64, scratch_operands = 7 : i64, tpu.core_type = #tpu.core_type<sc_vector_subcore>, window_params = [{transform_indices = #map}, {transform_indices = #map1}]} {
    %mul3A = arith.constant 2 : i32
    %mul3A_0 = arith.muli %arg1, %mul3A : i32
    %add3A = arith.addi %mul3A_0, %arg0 : i32
    %jit3A = arith.constant 8 : i32
    %div3A = arith.divsi %arg1, %jit3A : i32
    %sign3A = arith.constant 0 : i32
    %sign3A_1 = arith.cmpi sgt, %arg1, %sign3A : i32
    %sign3A_2 = arith.extui %sign3A_1 : i1 to i32
    %sign3A_3 = arith.constant 0 : i32
    %sign3A_4 = arith.cmpi slt, %arg1, %sign3A_3 : i32
    %sign3A_5 = arith.extui %sign3A_4 : i1 to i32
    %sign3A_6 = arith.subi %sign3A_2, %sign3A_5 : i32
    %sign3A_7 = arith.constant 0 : i32
    %sign3A_8 = arith.cmpi sgt, %jit3A, %sign3A_7 : i32
    %sign3A_9 = arith.extui %sign3A_8 : i1 to i32
    %sign3A_10 = arith.constant 0 : i32
    %sign3A_11 = arith.cmpi slt, %jit3A, %sign3A_10 : i32
    %sign3A_12 = arith.extui %sign3A_11 : i1 to i32
    %sign3A_13 = arith.subi %sign3A_9, %sign3A_12 : i32
    %ne3A = arith.cmpi ne, %sign3A_6, %sign3A_13 : i32
    %rem3A = arith.remsi %arg1, %jit3A : i32
    %ne3A_14 = arith.constant 0 : i32
    %ne3A_15 = arith.cmpi ne, %rem3A, %ne3A_14 : i32
    %and3A = arith.andi %ne3A, %ne3A_15 : i1
    %sub3A = arith.constant 1 : i32
    %sub3A_16 = arith.subi %div3A, %sub3A : i32
    %select_n3A = arith.select %and3A, %sub3A_16, %div3A : i32
    %jit3A_17 = arith.constant 8 : i32
    %eq3A = arith.constant 0 : i32
    %eq3A_18 = arith.cmpi eq, %jit3A_17, %eq3A : i32
    %jit3A_19 = arith.constant 1 : i32
    %select_n3A_20 = arith.select %eq3A_18, %jit3A_19, %jit3A_17 : i32
    %rem3A_21 = arith.remsi %arg1, %select_n3A_20 : i32
    %ne3A_22 = arith.constant 0 : i32
    %ne3A_23 = arith.cmpi ne, %rem3A_21, %ne3A_22 : i32
    %lt3A = arith.constant 0 : i32
    %lt3A_24 = arith.cmpi slt, %rem3A_21, %lt3A : i32
    %lt3A_25 = arith.constant 0 : i32
    %lt3A_26 = arith.cmpi slt, %select_n3A_20, %lt3A_25 : i32
    %ne3A_27 = arith.xori %lt3A_24, %lt3A_26 : i1
    %and3A_28 = arith.andi %ne3A_27, %ne3A_23 : i1
    %add3A_29 = arith.addi %rem3A_21, %select_n3A_20 : i32
    %select_n3A_30 = arith.select %and3A_28, %add3A_29, %rem3A_21 : i32
    %mul3A_31 = arith.constant 40000 : i32
    %mul3A_32 = arith.muli %select_n3A_30, %mul3A_31 : i32
    %broadcast_in_dim3A = arith.constant 0 : i32
    %broadcast_in_dim3A_33 = vector.broadcast %broadcast_in_dim3A : i32 to vector<16xi32>
    %broadcast_in_dim3A_34 = arith.constant 1 : i32
    %broadcast_in_dim3A_35 = vector.broadcast %broadcast_in_dim3A_34 : i32 to vector<16xi32>
    %scan3A = arith.constant 0 : i32
    %scan3A_36 = arith.constant 0 : i32
    %scan3A_37 = arith.constant 80 : i32
    %scan3A_38 = arith.addi %scan3A_36, %scan3A_37 : i32
    %scan3A_39 = arith.constant 1 : i32
    scf.for %scan3A_119 = %scan3A_36 to %scan3A_38 step %scan3A_39  : i32 {
      %mul3A_120 = arith.constant 128 : i32
      %mul3A_121 = arith.muli %scan3A_119, %mul3A_120 : i32
      %add3A_122 = arith.constant 0 : i32
      %add3A_123 = arith.addi %mul3A_121, %add3A_122 : i32
      %swap3A = arith.index_cast %add3A_123 : i32 to index
      %swap3A_124 = tpu.vector_load %arg5[%swap3A] {strides = array<i32>} : memref<10240xi32, #tpu.memory_space<vmem>>, vector<16xi32>,
      tpu.vector_store %arg5[%swap3A], %broadcast_in_dim3A_33 {strides = array<i32>} : memref<10240xi32, #tpu.memory_space<vmem>>, vector<16xi32>,
      %mul3A_125 = arith.constant 128 : i32
      %mul3A_126 = arith.muli %scan3A_119, %mul3A_125 : i32
      %add3A_127 = arith.constant 16 : i32
      %add3A_128 = arith.addi %mul3A_126, %add3A_127 : i32
      %swap3A_129 = arith.index_cast %add3A_128 : i32 to index
      %swap3A_130 = tpu.vector_load %arg5[%swap3A_129] {strides = array<i32>} : memref<10240xi32, #tpu.memory_space<vmem>>, vector<16xi32>,
      tpu.vector_store %arg5[%swap3A_129], %broadcast_in_dim3A_33 {strides = array<i32>} : memref<10240xi32, #tpu.memory_space<vmem>>, vector<16xi32>,
      %mul3A_131 = arith.constant 128 : i32
      %mul3A_132 = arith.muli %scan3A_119, %mul3A_131 : i32
      %add3A_133 = arith.constant 32 : i32
      %add3A_134 = arith.addi %mul3A_132, %add3A_133 : i32
      %swap3A_135 = arith.index_cast %add3A_134 : i32 to index
      %swap3A_136 = tpu.vector_load %arg5[%swap3A_135] {strides = array<i32>} : memref<10240xi32, #tpu.memory_space<vmem>>, vector<16xi32>,
      tpu.vector_store %arg5[%swap3A_135], %broadcast_in_dim3A_33 {strides = array<i32>} : memref<10240xi32, #tpu.memory_space<vmem>>, vector<16xi32>,
      %mul3A_137 = arith.constant 128 : i32
      %mul3A_138 = arith.muli %scan3A_119, %mul3A_137 : i32
      %add3A_139 = arith.constant 48 : i32
      %add3A_140 = arith.addi %mul3A_138, %add3A_139 : i32
      %swap3A_141 = arith.index_cast %add3A_140 : i32 to index
      %swap3A_142 = tpu.vector_load %arg5[%swap3A_141] {strides = array<i32>} : memref<10240xi32, #tpu.memory_space<vmem>>, vector<16xi32>,
      tpu.vector_store %arg5[%swap3A_141], %broadcast_in_dim3A_33 {strides = array<i32>} : memref<10240xi32, #tpu.memory_space<vmem>>, vector<16xi32>,
      %mul3A_143 = arith.constant 128 : i32
      %mul3A_144 = arith.muli %scan3A_119, %mul3A_143 : i32
      %add3A_145 = arith.constant 64 : i32
      %add3A_146 = arith.addi %mul3A_144, %add3A_145 : i32
      %swap3A_147 = arith.index_cast %add3A_146 : i32 to index
      %swap3A_148 = tpu.vector_load %arg5[%swap3A_147] {strides = array<i32>} : memref<10240xi32, #tpu.memory_space<vmem>>, vector<16xi32>,
      tpu.vector_store %arg5[%swap3A_147], %broadcast_in_dim3A_33 {strides = array<i32>} : memref<10240xi32, #tpu.memory_space<vmem>>, vector<16xi32>,
      %mul3A_149 = arith.constant 128 : i32
      %mul3A_150 = arith.muli %scan3A_119, %mul3A_149 : i32
      %add3A_151 = arith.constant 80 : i32
      %add3A_152 = arith.addi %mul3A_150, %add3A_151 : i32
      %swap3A_153 = arith.index_cast %add3A_152 : i32 to index
      %swap3A_154 = tpu.vector_load %arg5[%swap3A_153] {strides = array<i32>} : memref<10240xi32, #tpu.memory_space<vmem>>, vector<16xi32>,
      tpu.vector_store %arg5[%swap3A_153], %broadcast_in_dim3A_33 {strides = array<i32>} : memref<10240xi32, #tpu.memory_space<vmem>>, vector<16xi32>,
      %mul3A_155 = arith.constant 128 : i32
      %mul3A_156 = arith.muli %scan3A_119, %mul3A_155 : i32
      %add3A_157 = arith.constant 96 : i32
      %add3A_158 = arith.addi %mul3A_156, %add3A_157 : i32
      %swap3A_159 = arith.index_cast %add3A_158 : i32 to index
      %swap3A_160 = tpu.vector_load %arg5[%swap3A_159] {strides = array<i32>} : memref<10240xi32, #tpu.memory_space<vmem>>, vector<16xi32>,
      tpu.vector_store %arg5[%swap3A_159], %broadcast_in_dim3A_33 {strides = array<i32>} : memref<10240xi32, #tpu.memory_space<vmem>>, vector<16xi32>,
      %mul3A_161 = arith.constant 128 : i32
      %mul3A_162 = arith.muli %scan3A_119, %mul3A_161 : i32
      %add3A_163 = arith.constant 112 : i32
      %add3A_164 = arith.addi %mul3A_162, %add3A_163 : i32
      %swap3A_165 = arith.index_cast %add3A_164 : i32 to index
      %swap3A_166 = tpu.vector_load %arg5[%swap3A_165] {strides = array<i32>} : memref<10240xi32, #tpu.memory_space<vmem>>, vector<16xi32>,
      tpu.vector_store %arg5[%swap3A_165], %broadcast_in_dim3A_33 {strides = array<i32>} : memref<10240xi32, #tpu.memory_space<vmem>>, vector<16xi32>,
    }
    %scan3A_40 = arith.constant 80 : i32
    "tpu.region"() ({
      %run_scoped3A_119 = tpu.sem_alloc : memref<!tpu.dma_semaphore, #tpu.memory_space<semaphore_mem>>
      %dma_start3A = tpu.memref_slice %arg2[%select_n3A, %mul3A_32] : memref<2x320000xi32, #tpu.memory_space<hbm>> -> memref<1x40000xi32, #tpu.memory_space<hbm>>
      %dma_start3A_120 = tpu.memref_squeeze %dma_start3A : memref<1x40000xi32, #tpu.memory_space<hbm>> -> memref<40000xi32, #tpu.memory_space<hbm>>
      %dma_start3A_121 = tpu.memref_slice %arg2[%select_n3A, %mul3A_32] : memref<2x320000xi32, #tpu.memory_space<hbm>> -> memref<1x40000xi32, #tpu.memory_space<hbm>>
      %dma_start3A_122 = tpu.memref_squeeze %dma_start3A_121 : memref<1x40000xi32, #tpu.memory_space<hbm>> -> memref<40000xi32, #tpu.memory_space<hbm>>
      tpu.enqueue_dma source(%dma_start3A_122 : memref<40000xi32, #tpu.memory_space<hbm>>) target(%arg4 : memref<40000xi32, #tpu.memory_space<vmem>>) target_semaphore(%run_scoped3A_119 : memref<!tpu.dma_semaphore, #tpu.memory_space<semaphore_mem>>)
      %dma_wait3A = tpu.memref_slice %arg2[%select_n3A, %mul3A_32] : memref<2x320000xi32, #tpu.memory_space<hbm>> -> memref<1x40000xi32, #tpu.memory_space<hbm>>
      %dma_wait3A_123 = tpu.memref_squeeze %dma_wait3A : memref<1x40000xi32, #tpu.memory_space<hbm>> -> memref<40000xi32, #tpu.memory_space<hbm>>
      %dma_wait3A_124 = tpu.memref_slice %arg2[%select_n3A, %mul3A_32] : memref<2x320000xi32, #tpu.memory_space<hbm>> -> memref<1x40000xi32, #tpu.memory_space<hbm>>
      %dma_wait3A_125 = tpu.memref_squeeze %dma_wait3A_124 : memref<1x40000xi32, #tpu.memory_space<hbm>> -> memref<40000xi32, #tpu.memory_space<hbm>>
      tpu.wait_dma2 semaphore(%run_scoped3A_119 : memref<!tpu.dma_semaphore, #tpu.memory_space<semaphore_mem>>) src(%dma_wait3A_125 : memref<40000xi32, #tpu.memory_space<hbm>>) dst(%arg4 : memref<40000xi32, #tpu.memory_space<vmem>>)
      tpu.yield
    }) : () -> ()
    %scan3A_41 = arith.constant 0 : i32
    %scan3A_42 = arith.constant 0 : i32
    %scan3A_43 = arith.constant 625 : i32
    %scan3A_44 = arith.addi %scan3A_42, %scan3A_43 : i32
    %scan3A_45 = arith.constant 1 : i32
    scf.for %scan3A_119 = %scan3A_42 to %scan3A_44 step %scan3A_45  : i32 {
      %mul3A_120 = arith.constant 64 : i32
      %mul3A_121 = arith.muli %scan3A_119, %mul3A_120 : i32
      %add3A_122 = arith.constant 0 : i32
      %add3A_123 = arith.addi %mul3A_121, %add3A_122 : i32
      %get3A = arith.index_cast %add3A_123 : i32 to index
      %get3A_124 = tpu.vector_load %arg4[%get3A] {strides = array<i32>} : memref<40000xi32, #tpu.memory_space<vmem>>, vector<16xi32>,
      tpu.vector_store_idx %arg5[%get3A_124], %broadcast_in_dim3A_35 {add = true} : memref<10240xi32, #tpu.memory_space<vmem>>[vector<16xi32>], vector<16xi32>,
      %mul3A_125 = arith.constant 64 : i32
      %mul3A_126 = arith.muli %scan3A_119, %mul3A_125 : i32
      %add3A_127 = arith.constant 16 : i32
      %add3A_128 = arith.addi %mul3A_126, %add3A_127 : i32
      %get3A_129 = arith.index_cast %add3A_128 : i32 to index
      %get3A_130 = tpu.vector_load %arg4[%get3A_129] {strides = array<i32>} : memref<40000xi32, #tpu.memory_space<vmem>>, vector<16xi32>,
      tpu.vector_store_idx %arg5[%get3A_130], %broadcast_in_dim3A_35 {add = true} : memref<10240xi32, #tpu.memory_space<vmem>>[vector<16xi32>], vector<16xi32>,
      %mul3A_131 = arith.constant 64 : i32
      %mul3A_132 = arith.muli %scan3A_119, %mul3A_131 : i32
      %add3A_133 = arith.constant 32 : i32
      %add3A_134 = arith.addi %mul3A_132, %add3A_133 : i32
      %get3A_135 = arith.index_cast %add3A_134 : i32 to index
      %get3A_136 = tpu.vector_load %arg4[%get3A_135] {strides = array<i32>} : memref<40000xi32, #tpu.memory_space<vmem>>, vector<16xi32>,
      tpu.vector_store_idx %arg5[%get3A_136], %broadcast_in_dim3A_35 {add = true} : memref<10240xi32, #tpu.memory_space<vmem>>[vector<16xi32>], vector<16xi32>,
      %mul3A_137 = arith.constant 64 : i32
      %mul3A_138 = arith.muli %scan3A_119, %mul3A_137 : i32
      %add3A_139 = arith.constant 48 : i32
      %add3A_140 = arith.addi %mul3A_138, %add3A_139 : i32
      %get3A_141 = arith.index_cast %add3A_140 : i32 to index
      %get3A_142 = tpu.vector_load %arg4[%get3A_141] {strides = array<i32>} : memref<40000xi32, #tpu.memory_space<vmem>>, vector<16xi32>,
      tpu.vector_store_idx %arg5[%get3A_142], %broadcast_in_dim3A_35 {add = true} : memref<10240xi32, #tpu.memory_space<vmem>>[vector<16xi32>], vector<16xi32>,
    }
    %scan3A_46 = arith.constant 625 : i32
    "tpu.region"() ({
      %run_scoped3A_119 = tpu.sem_alloc : memref<!tpu.dma_semaphore, #tpu.memory_space<semaphore_mem>>
      %dma_start3A = arith.constant 0 : i32
      %dma_start3A_120 = tpu.memref_slice %arg9[%arg1, %dma_start3A] : memref<16x10240xi32, #tpu.memory_space<vmem_shared>> -> memref<1x10240xi32, #tpu.memory_space<vmem_shared>>
      %dma_start3A_121 = tpu.memref_squeeze %dma_start3A_120 : memref<1x10240xi32, #tpu.memory_space<vmem_shared>> -> memref<10240xi32, #tpu.memory_space<vmem_shared>>
      %dma_start3A_122 = arith.constant 0 : i32
      %dma_start3A_123 = tpu.memref_slice %arg9[%arg1, %dma_start3A_122] : memref<16x10240xi32, #tpu.memory_space<vmem_shared>> -> memref<1x10240xi32, #tpu.memory_space<vmem_shared>>
      %dma_start3A_124 = tpu.memref_squeeze %dma_start3A_123 : memref<1x10240xi32, #tpu.memory_space<vmem_shared>> -> memref<10240xi32, #tpu.memory_space<vmem_shared>>
      tpu.enqueue_dma source(%arg5 : memref<10240xi32, #tpu.memory_space<vmem>>) target(%dma_start3A_124 : memref<10240xi32, #tpu.memory_space<vmem_shared>>) target_semaphore(%run_scoped3A_119 : memref<!tpu.dma_semaphore, #tpu.memory_space<semaphore_mem>>)
      %dma_wait3A = arith.constant 0 : i32
      %dma_wait3A_125 = tpu.memref_slice %arg9[%arg1, %dma_wait3A] : memref<16x10240xi32, #tpu.memory_space<vmem_shared>> -> memref<1x10240xi32, #tpu.memory_space<vmem_shared>>
      %dma_wait3A_126 = tpu.memref_squeeze %dma_wait3A_125 : memref<1x10240xi32, #tpu.memory_space<vmem_shared>> -> memref<10240xi32, #tpu.memory_space<vmem_shared>>
      %dma_wait3A_127 = arith.constant 0 : i32
      %dma_wait3A_128 = tpu.memref_slice %arg9[%arg1, %dma_wait3A_127] : memref<16x10240xi32, #tpu.memory_space<vmem_shared>> -> memref<1x10240xi32, #tpu.memory_space<vmem_shared>>
      %dma_wait3A_129 = tpu.memref_squeeze %dma_wait3A_128 : memref<1x10240xi32, #tpu.memory_space<vmem_shared>> -> memref<10240xi32, #tpu.memory_space<vmem_shared>>
      tpu.wait_dma2 semaphore(%run_scoped3A_119 : memref<!tpu.dma_semaphore, #tpu.memory_space<semaphore_mem>>) src(%arg5 : memref<10240xi32, #tpu.memory_space<vmem>>) dst(%dma_wait3A_129 : memref<10240xi32, #tpu.memory_space<vmem_shared>>)
      tpu.yield
    }) : () -> ()
    %barrier3A = arith.constant 0 : index
    tpu.barrier barrier_id(%barrier3A)
    %mul3A_47 = arith.constant 640 : i32
    %mul3A_48 = arith.muli %arg1, %mul3A_47 : i32
    %run_scoped3A = arith.constant 0 : i32
    "tpu.region"() ({
      %run_scoped3A_119 = tpu.sem_alloc : memref<!tpu.dma_semaphore, #tpu.memory_space<semaphore_mem>>
      %dma_start3A = arith.constant 0 : i32
      %dma_start3A_120 = tpu.memref_slice %arg6[%dma_start3A] : memref<10240xi32, #tpu.memory_space<vmem>> -> memref<640xi32, #tpu.memory_space<vmem>>
      %dma_start3A_121 = tpu.memref_slice %arg9[%run_scoped3A, %mul3A_48] : memref<16x10240xi32, #tpu.memory_space<vmem_shared>> -> memref<1x640xi32, #tpu.memory_space<vmem_shared>>
      %dma_start3A_122 = tpu.memref_squeeze %dma_start3A_121 : memref<1x640xi32, #tpu.memory_space<vmem_shared>> -> memref<640xi32, #tpu.memory_space<vmem_shared>>
      %dma_start3A_123 = arith.constant 0 : i32
      %dma_start3A_124 = tpu.memref_slice %arg6[%dma_start3A_123] : memref<10240xi32, #tpu.memory_space<vmem>> -> memref<640xi32, #tpu.memory_space<vmem>>
      %dma_start3A_125 = tpu.memref_slice %arg9[%run_scoped3A, %mul3A_48] : memref<16x10240xi32, #tpu.memory_space<vmem_shared>> -> memref<1x640xi32, #tpu.memory_space<vmem_shared>>
      %dma_start3A_126 = tpu.memref_squeeze %dma_start3A_125 : memref<1x640xi32, #tpu.memory_space<vmem_shared>> -> memref<640xi32, #tpu.memory_space<vmem_shared>>
      tpu.enqueue_dma source(%dma_start3A_126 : memref<640xi32, #tpu.memory_space<vmem_shared>>) target(%dma_start3A_124 : memref<640xi32, #tpu.memory_space<vmem>>) target_semaphore(%run_scoped3A_119 : memref<!tpu.dma_semaphore, #tpu.memory_space<semaphore_mem>>)
      %dma_wait3A = arith.constant 0 : i32
      %dma_wait3A_127 = tpu.memref_slice %arg6[%dma_wait3A] : memref<10240xi32, #tpu.memory_space<vmem>> -> memref<640xi32, #tpu.memory_space<vmem>>
      %dma_wait3A_128 = tpu.memref_slice %arg9[%run_scoped3A, %mul3A_48] : memref<16x10240xi32, #tpu.memory_space<vmem_shared>> -> memref<1x640xi32, #tpu.memory_space<vmem_shared>>
      %dma_wait3A_129 = tpu.memref_squeeze %dma_wait3A_128 : memref<1x640xi32, #tpu.memory_space<vmem_shared>> -> memref<640xi32, #tpu.memory_space<vmem_shared>>
      %dma_wait3A_130 = arith.constant 0 : i32
      %dma_wait3A_131 = tpu.memref_slice %arg6[%dma_wait3A_130] : memref<10240xi32, #tpu.memory_space<vmem>> -> memref<640xi32, #tpu.memory_space<vmem>>
      %dma_wait3A_132 = tpu.memref_slice %arg9[%run_scoped3A, %mul3A_48] : memref<16x10240xi32, #tpu.memory_space<vmem_shared>> -> memref<1x640xi32, #tpu.memory_space<vmem_shared>>
      %dma_wait3A_133 = tpu.memref_squeeze %dma_wait3A_132 : memref<1x640xi32, #tpu.memory_space<vmem_shared>> -> memref<640xi32, #tpu.memory_space<vmem_shared>>
      tpu.wait_dma2 semaphore(%run_scoped3A_119 : memref<!tpu.dma_semaphore, #tpu.memory_space<semaphore_mem>>) src(%dma_wait3A_133 : memref<640xi32, #tpu.memory_space<vmem_shared>>) dst(%dma_wait3A_131 : memref<640xi32, #tpu.memory_space<vmem>>)
      tpu.yield
    }) : () -> ()
    %mul3A_49 = arith.constant 640 : i32
    %mul3A_50 = arith.muli %arg1, %mul3A_49 : i32
    %run_scoped3A_51 = arith.constant 1 : i32
    "tpu.region"() ({
      %run_scoped3A_119 = tpu.sem_alloc : memref<!tpu.dma_semaphore, #tpu.memory_space<semaphore_mem>>
      %dma_start3A = arith.constant 640 : i32
      %dma_start3A_120 = tpu.memref_slice %arg6[%dma_start3A] : memref<10240xi32, #tpu.memory_space<vmem>> -> memref<640xi32, #tpu.memory_space<vmem>>
      %dma_start3A_121 = tpu.memref_slice %arg9[%run_scoped3A_51, %mul3A_50] : memref<16x10240xi32, #tpu.memory_space<vmem_shared>> -> memref<1x640xi32, #tpu.memory_space<vmem_shared>>
      %dma_start3A_122 = tpu.memref_squeeze %dma_start3A_121 : memref<1x640xi32, #tpu.memory_space<vmem_shared>> -> memref<640xi32, #tpu.memory_space<vmem_shared>>
      %dma_start3A_123 = arith.constant 640 : i32
      %dma_start3A_124 = tpu.memref_slice %arg6[%dma_start3A_123] : memref<10240xi32, #tpu.memory_space<vmem>> -> memref<640xi32, #tpu.memory_space<vmem>>
      %dma_start3A_125 = tpu.memref_slice %arg9[%run_scoped3A_51, %mul3A_50] : memref<16x10240xi32, #tpu.memory_space<vmem_shared>> -> memref<1x640xi32, #tpu.memory_space<vmem_shared>>
      %dma_start3A_126 = tpu.memref_squeeze %dma_start3A_125 : memref<1x640xi32, #tpu.memory_space<vmem_shared>> -> memref<640xi32, #tpu.memory_space<vmem_shared>>
      tpu.enqueue_dma source(%dma_start3A_126 : memref<640xi32, #tpu.memory_space<vmem_shared>>) target(%dma_start3A_124 : memref<640xi32, #tpu.memory_space<vmem>>) target_semaphore(%run_scoped3A_119 : memref<!tpu.dma_semaphore, #tpu.memory_space<semaphore_mem>>)
      %dma_wait3A = arith.constant 640 : i32
      %dma_wait3A_127 = tpu.memref_slice %arg6[%dma_wait3A] : memref<10240xi32, #tpu.memory_space<vmem>> -> memref<640xi32, #tpu.memory_space<vmem>>
      %dma_wait3A_128 = tpu.memref_slice %arg9[%run_scoped3A_51, %mul3A_50] : memref<16x10240xi32, #tpu.memory_space<vmem_shared>> -> memref<1x640xi32, #tpu.memory_space<vmem_shared>>
      %dma_wait3A_129 = tpu.memref_squeeze %dma_wait3A_128 : memref<1x640xi32, #tpu.memory_space<vmem_shared>> -> memref<640xi32, #tpu.memory_space<vmem_shared>>
      %dma_wait3A_130 = arith.constant 640 : i32
      %dma_wait3A_131 = tpu.memref_slice %arg6[%dma_wait3A_130] : memref<10240xi32, #tpu.memory_space<vmem>> -> memref<640xi32, #tpu.memory_space<vmem>>
      %dma_wait3A_132 = tpu.memref_slice %arg9[%run_scoped3A_51, %mul3A_50] : memref<16x10240xi32, #tpu.memory_space<vmem_shared>> -> memref<1x640xi32, #tpu.memory_space<vmem_shared>>
      %dma_wait3A_133 = tpu.memref_squeeze %dma_wait3A_132 : memref<1x640xi32, #tpu.memory_space<vmem_shared>> -> memref<640xi32, #tpu.memory_space<vmem_shared>>
      tpu.wait_dma2 semaphore(%run_scoped3A_119 : memref<!tpu.dma_semaphore, #tpu.memory_space<semaphore_mem>>) src(%dma_wait3A_133 : memref<640xi32, #tpu.memory_space<vmem_shared>>) dst(%dma_wait3A_131 : memref<640xi32, #tpu.memory_space<vmem>>)
      tpu.yield
    }) : () -> ()
    %mul3A_52 = arith.constant 640 : i32
    %mul3A_53 = arith.muli %arg1, %mul3A_52 : i32
    %run_scoped3A_54 = arith.constant 2 : i32
    "tpu.region"() ({
      %run_scoped3A_119 = tpu.sem_alloc : memref<!tpu.dma_semaphore, #tpu.memory_space<semaphore_mem>>
      %dma_start3A = arith.constant 1280 : i32
      %dma_start3A_120 = tpu.memref_slice %arg6[%dma_start3A] : memref<10240xi32, #tpu.memory_space<vmem>> -> memref<640xi32, #tpu.memory_space<vmem>>
      %dma_start3A_121 = tpu.memref_slice %arg9[%run_scoped3A_54, %mul3A_53] : memref<16x10240xi32, #tpu.memory_space<vmem_shared>> -> memref<1x640xi32, #tpu.memory_space<vmem_shared>>
      %dma_start3A_122 = tpu.memref_squeeze %dma_start3A_121 : memref<1x640xi32, #tpu.memory_space<vmem_shared>> -> memref<640xi32, #tpu.memory_space<vmem_shared>>
      %dma_start3A_123 = arith.constant 1280 : i32
      %dma_start3A_124 = tpu.memref_slice %arg6[%dma_start3A_123] : memref<10240xi32, #tpu.memory_space<vmem>> -> memref<640xi32, #tpu.memory_space<vmem>>
      %dma_start3A_125 = tpu.memref_slice %arg9[%run_scoped3A_54, %mul3A_53] : memref<16x10240xi32, #tpu.memory_space<vmem_shared>> -> memref<1x640xi32, #tpu.memory_space<vmem_shared>>
      %dma_start3A_126 = tpu.memref_squeeze %dma_start3A_125 : memref<1x640xi32, #tpu.memory_space<vmem_shared>> -> memref<640xi32, #tpu.memory_space<vmem_shared>>
      tpu.enqueue_dma source(%dma_start3A_126 : memref<640xi32, #tpu.memory_space<vmem_shared>>) target(%dma_start3A_124 : memref<640xi32, #tpu.memory_space<vmem>>) target_semaphore(%run_scoped3A_119 : memref<!tpu.dma_semaphore, #tpu.memory_space<semaphore_mem>>)
      %dma_wait3A = arith.constant 1280 : i32
      %dma_wait3A_127 = tpu.memref_slice %arg6[%dma_wait3A] : memref<10240xi32, #tpu.memory_space<vmem>> -> memref<640xi32, #tpu.memory_space<vmem>>
      %dma_wait3A_128 = tpu.memref_slice %arg9[%run_scoped3A_54, %mul3A_53] : memref<16x10240xi32, #tpu.memory_space<vmem_shared>> -> memref<1x640xi32, #tpu.memory_space<vmem_shared>>
      %dma_wait3A_129 = tpu.memref_squeeze %dma_wait3A_128 : memref<1x640xi32, #tpu.memory_space<vmem_shared>> -> memref<640xi32, #tpu.memory_space<vmem_shared>>
      %dma_wait3A_130 = arith.constant 1280 : i32
      %dma_wait3A_131 = tpu.memref_slice %arg6[%dma_wait3A_130] : memref<10240xi32, #tpu.memory_space<vmem>> -> memref<640xi32, #tpu.memory_space<vmem>>
      %dma_wait3A_132 = tpu.memref_slice %arg9[%run_scoped3A_54, %mul3A_53] : memref<16x10240xi32, #tpu.memory_space<vmem_shared>> -> memref<1x640xi32, #tpu.memory_space<vmem_shared>>
      %dma_wait3A_133 = tpu.memref_squeeze %dma_wait3A_132 : memref<1x640xi32, #tpu.memory_space<vmem_shared>> -> memref<640xi32, #tpu.memory_space<vmem_shared>>
      tpu.wait_dma2 semaphore(%run_scoped3A_119 : memref<!tpu.dma_semaphore, #tpu.memory_space<semaphore_mem>>) src(%dma_wait3A_133 : memref<640xi32, #tpu.memory_space<vmem_shared>>) dst(%dma_wait3A_131 : memref<640xi32, #tpu.memory_space<vmem>>)
      tpu.yield
    }) : () -> ()
    %mul3A_55 = arith.constant 640 : i32
    %mul3A_56 = arith.muli %arg1, %mul3A_55 : i32
    %run_scoped3A_57 = arith.constant 3 : i32
    "tpu.region"() ({
      %run_scoped3A_119 = tpu.sem_alloc : memref<!tpu.dma_semaphore, #tpu.memory_space<semaphore_mem>>
      %dma_start3A = arith.constant 1920 : i32
      %dma_start3A_120 = tpu.memref_slice %arg6[%dma_start3A] : memref<10240xi32, #tpu.memory_space<vmem>> -> memref<640xi32, #tpu.memory_space<vmem>>
      %dma_start3A_121 = tpu.memref_slice %arg9[%run_scoped3A_57, %mul3A_56] : memref<16x10240xi32, #tpu.memory_space<vmem_shared>> -> memref<1x640xi32, #tpu.memory_space<vmem_shared>>
      %dma_start3A_122 = tpu.memref_squeeze %dma_start3A_121 : memref<1x640xi32, #tpu.memory_space<vmem_shared>> -> memref<640xi32, #tpu.memory_space<vmem_shared>>
      %dma_start3A_123 = arith.constant 1920 : i32
      %dma_start3A_124 = tpu.memref_slice %arg6[%dma_start3A_123] : memref<10240xi32, #tpu.memory_space<vmem>> -> memref<640xi32, #tpu.memory_space<vmem>>
      %dma_start3A_125 = tpu.memref_slice %arg9[%run_scoped3A_57, %mul3A_56] : memref<16x10240xi32, #tpu.memory_space<vmem_shared>> -> memref<1x640xi32, #tpu.memory_space<vmem_shared>>
      %dma_start3A_126 = tpu.memref_squeeze %dma_start3A_125 : memref<1x640xi32, #tpu.memory_space<vmem_shared>> -> memref<640xi32, #tpu.memory_space<vmem_shared>>
      tpu.enqueue_dma source(%dma_start3A_126 : memref<640xi32, #tpu.memory_space<vmem_shared>>) target(%dma_start3A_124 : memref<640xi32, #tpu.memory_space<vmem>>) target_semaphore(%run_scoped3A_119 : memref<!tpu.dma_semaphore, #tpu.memory_space<semaphore_mem>>)
      %dma_wait3A = arith.constant 1920 : i32
      %dma_wait3A_127 = tpu.memref_slice %arg6[%dma_wait3A] : memref<10240xi32, #tpu.memory_space<vmem>> -> memref<640xi32, #tpu.memory_space<vmem>>
      %dma_wait3A_128 = tpu.memref_slice %arg9[%run_scoped3A_57, %mul3A_56] : memref<16x10240xi32, #tpu.memory_space<vmem_shared>> -> memref<1x640xi32, #tpu.memory_space<vmem_shared>>
      %dma_wait3A_129 = tpu.memref_squeeze %dma_wait3A_128 : memref<1x640xi32, #tpu.memory_space<vmem_shared>> -> memref<640xi32, #tpu.memory_space<vmem_shared>>
      %dma_wait3A_130 = arith.constant 1920 : i32
      %dma_wait3A_131 = tpu.memref_slice %arg6[%dma_wait3A_130] : memref<10240xi32, #tpu.memory_space<vmem>> -> memref<640xi32, #tpu.memory_space<vmem>>
      %dma_wait3A_132 = tpu.memref_slice %arg9[%run_scoped3A_57, %mul3A_56] : memref<16x10240xi32, #tpu.memory_space<vmem_shared>> -> memref<1x640xi32, #tpu.memory_space<vmem_shared>>
      %dma_wait3A_133 = tpu.memref_squeeze %dma_wait3A_132 : memref<1x640xi32, #tpu.memory_space<vmem_shared>> -> memref<640xi32, #tpu.memory_space<vmem_shared>>
      tpu.wait_dma2 semaphore(%run_scoped3A_119 : memref<!tpu.dma_semaphore, #tpu.memory_space<semaphore_mem>>) src(%dma_wait3A_133 : memref<640xi32, #tpu.memory_space<vmem_shared>>) dst(%dma_wait3A_131 : memref<640xi32, #tpu.memory_space<vmem>>)
      tpu.yield
    }) : () -> ()
    %mul3A_58 = arith.constant 640 : i32
    %mul3A_59 = arith.muli %arg1, %mul3A_58 : i32
    %run_scoped3A_60 = arith.constant 4 : i32
    "tpu.region"() ({
      %run_scoped3A_119 = tpu.sem_alloc : memref<!tpu.dma_semaphore, #tpu.memory_space<semaphore_mem>>
      %dma_start3A = arith.constant 2560 : i32
      %dma_start3A_120 = tpu.memref_slice %arg6[%dma_start3A] : memref<10240xi32, #tpu.memory_space<vmem>> -> memref<640xi32, #tpu.memory_space<vmem>>
      %dma_start3A_121 = tpu.memref_slice %arg9[%run_scoped3A_60, %mul3A_59] : memref<16x10240xi32, #tpu.memory_space<vmem_shared>> -> memref<1x640xi32, #tpu.memory_space<vmem_shared>>
      %dma_start3A_122 = tpu.memref_squeeze %dma_start3A_121 : memref<1x640xi32, #tpu.memory_space<vmem_shared>> -> memref<640xi32, #tpu.memory_space<vmem_shared>>
      %dma_start3A_123 = arith.constant 2560 : i32
      %dma_start3A_124 = tpu.memref_slice %arg6[%dma_start3A_123] : memref<10240xi32, #tpu.memory_space<vmem>> -> memref<640xi32, #tpu.memory_space<vmem>>
      %dma_start3A_125 = tpu.memref_slice %arg9[%run_scoped3A_60, %mul3A_59] : memref<16x10240xi32, #tpu.memory_space<vmem_shared>> -> memref<1x640xi32, #tpu.memory_space<vmem_shared>>
      %dma_start3A_126 = tpu.memref_squeeze %dma_start3A_125 : memref<1x640xi32, #tpu.memory_space<vmem_shared>> -> memref<640xi32, #tpu.memory_space<vmem_shared>>
      tpu.enqueue_dma source(%dma_start3A_126 : memref<640xi32, #tpu.memory_space<vmem_shared>>) target(%dma_start3A_124 : memref<640xi32, #tpu.memory_space<vmem>>) target_semaphore(%run_scoped3A_119 : memref<!tpu.dma_semaphore, #tpu.memory_space<semaphore_mem>>)
      %dma_wait3A = arith.constant 2560 : i32
      %dma_wait3A_127 = tpu.memref_slice %arg6[%dma_wait3A] : memref<10240xi32, #tpu.memory_space<vmem>> -> memref<640xi32, #tpu.memory_space<vmem>>
      %dma_wait3A_128 = tpu.memref_slice %arg9[%run_scoped3A_60, %mul3A_59] : memref<16x10240xi32, #tpu.memory_space<vmem_shared>> -> memref<1x640xi32, #tpu.memory_space<vmem_shared>>
      %dma_wait3A_129 = tpu.memref_squeeze %dma_wait3A_128 : memref<1x640xi32, #tpu.memory_space<vmem_shared>> -> memref<640xi32, #tpu.memory_space<vmem_shared>>
      %dma_wait3A_130 = arith.constant 2560 : i32
      %dma_wait3A_131 = tpu.memref_slice %arg6[%dma_wait3A_130] : memref<10240xi32, #tpu.memory_space<vmem>> -> memref<640xi32, #tpu.memory_space<vmem>>
      %dma_wait3A_132 = tpu.memref_slice %arg9[%run_scoped3A_60, %mul3A_59] : memref<16x10240xi32, #tpu.memory_space<vmem_shared>> -> memref<1x640xi32, #tpu.memory_space<vmem_shared>>
      %dma_wait3A_133 = tpu.memref_squeeze %dma_wait3A_132 : memref<1x640xi32, #tpu.memory_space<vmem_shared>> -> memref<640xi32, #tpu.memory_space<vmem_shared>>
      tpu.wait_dma2 semaphore(%run_scoped3A_119 : memref<!tpu.dma_semaphore, #tpu.memory_space<semaphore_mem>>) src(%dma_wait3A_133 : memref<640xi32, #tpu.memory_space<vmem_shared>>) dst(%dma_wait3A_131 : memref<640xi32, #tpu.memory_space<vmem>>)
      tpu.yield
    }) : () -> ()
    %mul3A_61 = arith.constant 640 : i32
    %mul3A_62 = arith.muli %arg1, %mul3A_61 : i32
    %run_scoped3A_63 = arith.constant 5 : i32
    "tpu.region"() ({
      %run_scoped3A_119 = tpu.sem_alloc : memref<!tpu.dma_semaphore, #tpu.memory_space<semaphore_mem>>
      %dma_start3A = arith.constant 3200 : i32
      %dma_start3A_120 = tpu.memref_slice %arg6[%dma_start3A] : memref<10240xi32, #tpu.memory_space<vmem>> -> memref<640xi32, #tpu.memory_space<vmem>>
      %dma_start3A_121 = tpu.memref_slice %arg9[%run_scoped3A_63, %mul3A_62] : memref<16x10240xi32, #tpu.memory_space<vmem_shared>> -> memref<1x640xi32, #tpu.memory_space<vmem_shared>>
      %dma_start3A_122 = tpu.memref_squeeze %dma_start3A_121 : memref<1x640xi32, #tpu.memory_space<vmem_shared>> -> memref<640xi32, #tpu.memory_space<vmem_shared>>
      %dma_start3A_123 = arith.constant 3200 : i32
      %dma_start3A_124 = tpu.memref_slice %arg6[%dma_start3A_123] : memref<10240xi32, #tpu.memory_space<vmem>> -> memref<640xi32, #tpu.memory_space<vmem>>
      %dma_start3A_125 = tpu.memref_slice %arg9[%run_scoped3A_63, %mul3A_62] : memref<16x10240xi32, #tpu.memory_space<vmem_shared>> -> memref<1x640xi32, #tpu.memory_space<vmem_shared>>
      %dma_start3A_126 = tpu.memref_squeeze %dma_start3A_125 : memref<1x640xi32, #tpu.memory_space<vmem_shared>> -> memref<640xi32, #tpu.memory_space<vmem_shared>>
      tpu.enqueue_dma source(%dma_start3A_126 : memref<640xi32, #tpu.memory_space<vmem_shared>>) target(%dma_start3A_124 : memref<640xi32, #tpu.memory_space<vmem>>) target_semaphore(%run_scoped3A_119 : memref<!tpu.dma_semaphore, #tpu.memory_space<semaphore_mem>>)
      %dma_wait3A = arith.constant 3200 : i32
      %dma_wait3A_127 = tpu.memref_slice %arg6[%dma_wait3A] : memref<10240xi32, #tpu.memory_space<vmem>> -> memref<640xi32, #tpu.memory_space<vmem>>
      %dma_wait3A_128 = tpu.memref_slice %arg9[%run_scoped3A_63, %mul3A_62] : memref<16x10240xi32, #tpu.memory_space<vmem_shared>> -> memref<1x640xi32, #tpu.memory_space<vmem_shared>>
      %dma_wait3A_129 = tpu.memref_squeeze %dma_wait3A_128 : memref<1x640xi32, #tpu.memory_space<vmem_shared>> -> memref<640xi32, #tpu.memory_space<vmem_shared>>
      %dma_wait3A_130 = arith.constant 3200 : i32
      %dma_wait3A_131 = tpu.memref_slice %arg6[%dma_wait3A_130] : memref<10240xi32, #tpu.memory_space<vmem>> -> memref<640xi32, #tpu.memory_space<vmem>>
      %dma_wait3A_132 = tpu.memref_slice %arg9[%run_scoped3A_63, %mul3A_62] : memref<16x10240xi32, #tpu.memory_space<vmem_shared>> -> memref<1x640xi32, #tpu.memory_space<vmem_shared>>
      %dma_wait3A_133 = tpu.memref_squeeze %dma_wait3A_132 : memref<1x640xi32, #tpu.memory_space<vmem_shared>> -> memref<640xi32, #tpu.memory_space<vmem_shared>>
      tpu.wait_dma2 semaphore(%run_scoped3A_119 : memref<!tpu.dma_semaphore, #tpu.memory_space<semaphore_mem>>) src(%dma_wait3A_133 : memref<640xi32, #tpu.memory_space<vmem_shared>>) dst(%dma_wait3A_131 : memref<640xi32, #tpu.memory_space<vmem>>)
      tpu.yield
    }) : () -> ()
    %mul3A_64 = arith.constant 640 : i32
    %mul3A_65 = arith.muli %arg1, %mul3A_64 : i32
    %run_scoped3A_66 = arith.constant 6 : i32
    "tpu.region"() ({
      %run_scoped3A_119 = tpu.sem_alloc : memref<!tpu.dma_semaphore, #tpu.memory_space<semaphore_mem>>
      %dma_start3A = arith.constant 3840 : i32
      %dma_start3A_120 = tpu.memref_slice %arg6[%dma_start3A] : memref<10240xi32, #tpu.memory_space<vmem>> -> memref<640xi32, #tpu.memory_space<vmem>>
      %dma_start3A_121 = tpu.memref_slice %arg9[%run_scoped3A_66, %mul3A_65] : memref<16x10240xi32, #tpu.memory_space<vmem_shared>> -> memref<1x640xi32, #tpu.memory_space<vmem_shared>>
      %dma_start3A_122 = tpu.memref_squeeze %dma_start3A_121 : memref<1x640xi32, #tpu.memory_space<vmem_shared>> -> memref<640xi32, #tpu.memory_space<vmem_shared>>
      %dma_start3A_123 = arith.constant 3840 : i32
      %dma_start3A_124 = tpu.memref_slice %arg6[%dma_start3A_123] : memref<10240xi32, #tpu.memory_space<vmem>> -> memref<640xi32, #tpu.memory_space<vmem>>
      %dma_start3A_125 = tpu.memref_slice %arg9[%run_scoped3A_66, %mul3A_65] : memref<16x10240xi32, #tpu.memory_space<vmem_shared>> -> memref<1x640xi32, #tpu.memory_space<vmem_shared>>
      %dma_start3A_126 = tpu.memref_squeeze %dma_start3A_125 : memref<1x640xi32, #tpu.memory_space<vmem_shared>> -> memref<640xi32, #tpu.memory_space<vmem_shared>>
      tpu.enqueue_dma source(%dma_start3A_126 : memref<640xi32, #tpu.memory_space<vmem_shared>>) target(%dma_start3A_124 : memref<640xi32, #tpu.memory_space<vmem>>) target_semaphore(%run_scoped3A_119 : memref<!tpu.dma_semaphore, #tpu.memory_space<semaphore_mem>>)
      %dma_wait3A = arith.constant 3840 : i32
      %dma_wait3A_127 = tpu.memref_slice %arg6[%dma_wait3A] : memref<10240xi32, #tpu.memory_space<vmem>> -> memref<640xi32, #tpu.memory_space<vmem>>
      %dma_wait3A_128 = tpu.memref_slice %arg9[%run_scoped3A_66, %mul3A_65] : memref<16x10240xi32, #tpu.memory_space<vmem_shared>> -> memref<1x640xi32, #tpu.memory_space<vmem_shared>>
      %dma_wait3A_129 = tpu.memref_squeeze %dma_wait3A_128 : memref<1x640xi32, #tpu.memory_space<vmem_shared>> -> memref<640xi32, #tpu.memory_space<vmem_shared>>
      %dma_wait3A_130 = arith.constant 3840 : i32
      %dma_wait3A_131 = tpu.memref_slice %arg6[%dma_wait3A_130] : memref<10240xi32, #tpu.memory_space<vmem>> -> memref<640xi32, #tpu.memory_space<vmem>>
      %dma_wait3A_132 = tpu.memref_slice %arg9[%run_scoped3A_66, %mul3A_65] : memref<16x10240xi32, #tpu.memory_space<vmem_shared>> -> memref<1x640xi32, #tpu.memory_space<vmem_shared>>
      %dma_wait3A_133 = tpu.memref_squeeze %dma_wait3A_132 : memref<1x640xi32, #tpu.memory_space<vmem_shared>> -> memref<640xi32, #tpu.memory_space<vmem_shared>>
      tpu.wait_dma2 semaphore(%run_scoped3A_119 : memref<!tpu.dma_semaphore, #tpu.memory_space<semaphore_mem>>) src(%dma_wait3A_133 : memref<640xi32, #tpu.memory_space<vmem_shared>>) dst(%dma_wait3A_131 : memref<640xi32, #tpu.memory_space<vmem>>)
      tpu.yield
    }) : () -> ()
    %mul3A_67 = arith.constant 640 : i32
    %mul3A_68 = arith.muli %arg1, %mul3A_67 : i32
    %run_scoped3A_69 = arith.constant 7 : i32
    "tpu.region"() ({
      %run_scoped3A_119 = tpu.sem_alloc : memref<!tpu.dma_semaphore, #tpu.memory_space<semaphore_mem>>
      %dma_start3A = arith.constant 4480 : i32
      %dma_start3A_120 = tpu.memref_slice %arg6[%dma_start3A] : memref<10240xi32, #tpu.memory_space<vmem>> -> memref<640xi32, #tpu.memory_space<vmem>>
      %dma_start3A_121 = tpu.memref_slice %arg9[%run_scoped3A_69, %mul3A_68] : memref<16x10240xi32, #tpu.memory_space<vmem_shared>> -> memref<1x640xi32, #tpu.memory_space<vmem_shared>>
      %dma_start3A_122 = tpu.memref_squeeze %dma_start3A_121 : memref<1x640xi32, #tpu.memory_space<vmem_shared>> -> memref<640xi32, #tpu.memory_space<vmem_shared>>
      %dma_start3A_123 = arith.constant 4480 : i32
      %dma_start3A_124 = tpu.memref_slice %arg6[%dma_start3A_123] : memref<10240xi32, #tpu.memory_space<vmem>> -> memref<640xi32, #tpu.memory_space<vmem>>
      %dma_start3A_125 = tpu.memref_slice %arg9[%run_scoped3A_69, %mul3A_68] : memref<16x10240xi32, #tpu.memory_space<vmem_shared>> -> memref<1x640xi32, #tpu.memory_space<vmem_shared>>
      %dma_start3A_126 = tpu.memref_squeeze %dma_start3A_125 : memref<1x640xi32, #tpu.memory_space<vmem_shared>> -> memref<640xi32, #tpu.memory_space<vmem_shared>>
      tpu.enqueue_dma source(%dma_start3A_126 : memref<640xi32, #tpu.memory_space<vmem_shared>>) target(%dma_start3A_124 : memref<640xi32, #tpu.memory_space<vmem>>) target_semaphore(%run_scoped3A_119 : memref<!tpu.dma_semaphore, #tpu.memory_space<semaphore_mem>>)
      %dma_wait3A = arith.constant 4480 : i32
      %dma_wait3A_127 = tpu.memref_slice %arg6[%dma_wait3A] : memref<10240xi32, #tpu.memory_space<vmem>> -> memref<640xi32, #tpu.memory_space<vmem>>
      %dma_wait3A_128 = tpu.memref_slice %arg9[%run_scoped3A_69, %mul3A_68] : memref<16x10240xi32, #tpu.memory_space<vmem_shared>> -> memref<1x640xi32, #tpu.memory_space<vmem_shared>>
      %dma_wait3A_129 = tpu.memref_squeeze %dma_wait3A_128 : memref<1x640xi32, #tpu.memory_space<vmem_shared>> -> memref<640xi32, #tpu.memory_space<vmem_shared>>
      %dma_wait3A_130 = arith.constant 4480 : i32
      %dma_wait3A_131 = tpu.memref_slice %arg6[%dma_wait3A_130] : memref<10240xi32, #tpu.memory_space<vmem>> -> memref<640xi32, #tpu.memory_space<vmem>>
      %dma_wait3A_132 = tpu.memref_slice %arg9[%run_scoped3A_69, %mul3A_68] : memref<16x10240xi32, #tpu.memory_space<vmem_shared>> -> memref<1x640xi32, #tpu.memory_space<vmem_shared>>
      %dma_wait3A_133 = tpu.memref_squeeze %dma_wait3A_132 : memref<1x640xi32, #tpu.memory_space<vmem_shared>> -> memref<640xi32, #tpu.memory_space<vmem_shared>>
      tpu.wait_dma2 semaphore(%run_scoped3A_119 : memref<!tpu.dma_semaphore, #tpu.memory_space<semaphore_mem>>) src(%dma_wait3A_133 : memref<640xi32, #tpu.memory_space<vmem_shared>>) dst(%dma_wait3A_131 : memref<640xi32, #tpu.memory_space<vmem>>)
      tpu.yield
    }) : () -> ()
    %mul3A_70 = arith.constant 640 : i32
    %mul3A_71 = arith.muli %arg1, %mul3A_70 : i32
    %run_scoped3A_72 = arith.constant 8 : i32
    "tpu.region"() ({
      %run_scoped3A_119 = tpu.sem_alloc : memref<!tpu.dma_semaphore, #tpu.memory_space<semaphore_mem>>
      %dma_start3A = arith.constant 5120 : i32
      %dma_start3A_120 = tpu.memref_slice %arg6[%dma_start3A] : memref<10240xi32, #tpu.memory_space<vmem>> -> memref<640xi32, #tpu.memory_space<vmem>>
      %dma_start3A_121 = tpu.memref_slice %arg9[%run_scoped3A_72, %mul3A_71] : memref<16x10240xi32, #tpu.memory_space<vmem_shared>> -> memref<1x640xi32, #tpu.memory_space<vmem_shared>>
      %dma_start3A_122 = tpu.memref_squeeze %dma_start3A_121 : memref<1x640xi32, #tpu.memory_space<vmem_shared>> -> memref<640xi32, #tpu.memory_space<vmem_shared>>
      %dma_start3A_123 = arith.constant 5120 : i32
      %dma_start3A_124 = tpu.memref_slice %arg6[%dma_start3A_123] : memref<10240xi32, #tpu.memory_space<vmem>> -> memref<640xi32, #tpu.memory_space<vmem>>
      %dma_start3A_125 = tpu.memref_slice %arg9[%run_scoped3A_72, %mul3A_71] : memref<16x10240xi32, #tpu.memory_space<vmem_shared>> -> memref<1x640xi32, #tpu.memory_space<vmem_shared>>
      %dma_start3A_126 = tpu.memref_squeeze %dma_start3A_125 : memref<1x640xi32, #tpu.memory_space<vmem_shared>> -> memref<640xi32, #tpu.memory_space<vmem_shared>>
      tpu.enqueue_dma source(%dma_start3A_126 : memref<640xi32, #tpu.memory_space<vmem_shared>>) target(%dma_start3A_124 : memref<640xi32, #tpu.memory_space<vmem>>) target_semaphore(%run_scoped3A_119 : memref<!tpu.dma_semaphore, #tpu.memory_space<semaphore_mem>>)
      %dma_wait3A = arith.constant 5120 : i32
      %dma_wait3A_127 = tpu.memref_slice %arg6[%dma_wait3A] : memref<10240xi32, #tpu.memory_space<vmem>> -> memref<640xi32, #tpu.memory_space<vmem>>
      %dma_wait3A_128 = tpu.memref_slice %arg9[%run_scoped3A_72, %mul3A_71] : memref<16x10240xi32, #tpu.memory_space<vmem_shared>> -> memref<1x640xi32, #tpu.memory_space<vmem_shared>>
      %dma_wait3A_129 = tpu.memref_squeeze %dma_wait3A_128 : memref<1x640xi32, #tpu.memory_space<vmem_shared>> -> memref<640xi32, #tpu.memory_space<vmem_shared>>
      %dma_wait3A_130 = arith.constant 5120 : i32
      %dma_wait3A_131 = tpu.memref_slice %arg6[%dma_wait3A_130] : memref<10240xi32, #tpu.memory_space<vmem>> -> memref<640xi32, #tpu.memory_space<vmem>>
      %dma_wait3A_132 = tpu.memref_slice %arg9[%run_scoped3A_72, %mul3A_71] : memref<16x10240xi32, #tpu.memory_space<vmem_shared>> -> memref<1x640xi32, #tpu.memory_space<vmem_shared>>
      %dma_wait3A_133 = tpu.memref_squeeze %dma_wait3A_132 : memref<1x640xi32, #tpu.memory_space<vmem_shared>> -> memref<640xi32, #tpu.memory_space<vmem_shared>>
      tpu.wait_dma2 semaphore(%run_scoped3A_119 : memref<!tpu.dma_semaphore, #tpu.memory_space<semaphore_mem>>) src(%dma_wait3A_133 : memref<640xi32, #tpu.memory_space<vmem_shared>>) dst(%dma_wait3A_131 : memref<640xi32, #tpu.memory_space<vmem>>)
      tpu.yield
    }) : () -> ()
    %mul3A_73 = arith.constant 640 : i32
    %mul3A_74 = arith.muli %arg1, %mul3A_73 : i32
    %run_scoped3A_75 = arith.constant 9 : i32
    "tpu.region"() ({
      %run_scoped3A_119 = tpu.sem_alloc : memref<!tpu.dma_semaphore, #tpu.memory_space<semaphore_mem>>
      %dma_start3A = arith.constant 5760 : i32
      %dma_start3A_120 = tpu.memref_slice %arg6[%dma_start3A] : memref<10240xi32, #tpu.memory_space<vmem>> -> memref<640xi32, #tpu.memory_space<vmem>>
      %dma_start3A_121 = tpu.memref_slice %arg9[%run_scoped3A_75, %mul3A_74] : memref<16x10240xi32, #tpu.memory_space<vmem_shared>> -> memref<1x640xi32, #tpu.memory_space<vmem_shared>>
      %dma_start3A_122 = tpu.memref_squeeze %dma_start3A_121 : memref<1x640xi32, #tpu.memory_space<vmem_shared>> -> memref<640xi32, #tpu.memory_space<vmem_shared>>
      %dma_start3A_123 = arith.constant 5760 : i32
      %dma_start3A_124 = tpu.memref_slice %arg6[%dma_start3A_123] : memref<10240xi32, #tpu.memory_space<vmem>> -> memref<640xi32, #tpu.memory_space<vmem>>
      %dma_start3A_125 = tpu.memref_slice %arg9[%run_scoped3A_75, %mul3A_74] : memref<16x10240xi32, #tpu.memory_space<vmem_shared>> -> memref<1x640xi32, #tpu.memory_space<vmem_shared>>
      %dma_start3A_126 = tpu.memref_squeeze %dma_start3A_125 : memref<1x640xi32, #tpu.memory_space<vmem_shared>> -> memref<640xi32, #tpu.memory_space<vmem_shared>>
      tpu.enqueue_dma source(%dma_start3A_126 : memref<640xi32, #tpu.memory_space<vmem_shared>>) target(%dma_start3A_124 : memref<640xi32, #tpu.memory_space<vmem>>) target_semaphore(%run_scoped3A_119 : memref<!tpu.dma_semaphore, #tpu.memory_space<semaphore_mem>>)
      %dma_wait3A = arith.constant 5760 : i32
      %dma_wait3A_127 = tpu.memref_slice %arg6[%dma_wait3A] : memref<10240xi32, #tpu.memory_space<vmem>> -> memref<640xi32, #tpu.memory_space<vmem>>
      %dma_wait3A_128 = tpu.memref_slice %arg9[%run_scoped3A_75, %mul3A_74] : memref<16x10240xi32, #tpu.memory_space<vmem_shared>> -> memref<1x640xi32, #tpu.memory_space<vmem_shared>>
      %dma_wait3A_129 = tpu.memref_squeeze %dma_wait3A_128 : memref<1x640xi32, #tpu.memory_space<vmem_shared>> -> memref<640xi32, #tpu.memory_space<vmem_shared>>
      %dma_wait3A_130 = arith.constant 5760 : i32
      %dma_wait3A_131 = tpu.memref_slice %arg6[%dma_wait3A_130] : memref<10240xi32, #tpu.memory_space<vmem>> -> memref<640xi32, #tpu.memory_space<vmem>>
      %dma_wait3A_132 = tpu.memref_slice %arg9[%run_scoped3A_75, %mul3A_74] : memref<16x10240xi32, #tpu.memory_space<vmem_shared>> -> memref<1x640xi32, #tpu.memory_space<vmem_shared>>
      %dma_wait3A_133 = tpu.memref_squeeze %dma_wait3A_132 : memref<1x640xi32, #tpu.memory_space<vmem_shared>> -> memref<640xi32, #tpu.memory_space<vmem_shared>>
      tpu.wait_dma2 semaphore(%run_scoped3A_119 : memref<!tpu.dma_semaphore, #tpu.memory_space<semaphore_mem>>) src(%dma_wait3A_133 : memref<640xi32, #tpu.memory_space<vmem_shared>>) dst(%dma_wait3A_131 : memref<640xi32, #tpu.memory_space<vmem>>)
      tpu.yield
    }) : () -> ()
    %mul3A_76 = arith.constant 640 : i32
    %mul3A_77 = arith.muli %arg1, %mul3A_76 : i32
    %run_scoped3A_78 = arith.constant 10 : i32
    "tpu.region"() ({
      %run_scoped3A_119 = tpu.sem_alloc : memref<!tpu.dma_semaphore, #tpu.memory_space<semaphore_mem>>
      %dma_start3A = arith.constant 6400 : i32
      %dma_start3A_120 = tpu.memref_slice %arg6[%dma_start3A] : memref<10240xi32, #tpu.memory_space<vmem>> -> memref<640xi32, #tpu.memory_space<vmem>>
      %dma_start3A_121 = tpu.memref_slice %arg9[%run_scoped3A_78, %mul3A_77] : memref<16x10240xi32, #tpu.memory_space<vmem_shared>> -> memref<1x640xi32, #tpu.memory_space<vmem_shared>>
      %dma_start3A_122 = tpu.memref_squeeze %dma_start3A_121 : memref<1x640xi32, #tpu.memory_space<vmem_shared>> -> memref<640xi32, #tpu.memory_space<vmem_shared>>
      %dma_start3A_123 = arith.constant 6400 : i32
      %dma_start3A_124 = tpu.memref_slice %arg6[%dma_start3A_123] : memref<10240xi32, #tpu.memory_space<vmem>> -> memref<640xi32, #tpu.memory_space<vmem>>
      %dma_start3A_125 = tpu.memref_slice %arg9[%run_scoped3A_78, %mul3A_77] : memref<16x10240xi32, #tpu.memory_space<vmem_shared>> -> memref<1x640xi32, #tpu.memory_space<vmem_shared>>
      %dma_start3A_126 = tpu.memref_squeeze %dma_start3A_125 : memref<1x640xi32, #tpu.memory_space<vmem_shared>> -> memref<640xi32, #tpu.memory_space<vmem_shared>>
      tpu.enqueue_dma source(%dma_start3A_126 : memref<640xi32, #tpu.memory_space<vmem_shared>>) target(%dma_start3A_124 : memref<640xi32, #tpu.memory_space<vmem>>) target_semaphore(%run_scoped3A_119 : memref<!tpu.dma_semaphore, #tpu.memory_space<semaphore_mem>>)
      %dma_wait3A = arith.constant 6400 : i32
      %dma_wait3A_127 = tpu.memref_slice %arg6[%dma_wait3A] : memref<10240xi32, #tpu.memory_space<vmem>> -> memref<640xi32, #tpu.memory_space<vmem>>
      %dma_wait3A_128 = tpu.memref_slice %arg9[%run_scoped3A_78, %mul3A_77] : memref<16x10240xi32, #tpu.memory_space<vmem_shared>> -> memref<1x640xi32, #tpu.memory_space<vmem_shared>>
      %dma_wait3A_129 = tpu.memref_squeeze %dma_wait3A_128 : memref<1x640xi32, #tpu.memory_space<vmem_shared>> -> memref<640xi32, #tpu.memory_space<vmem_shared>>
      %dma_wait3A_130 = arith.constant 6400 : i32
      %dma_wait3A_131 = tpu.memref_slice %arg6[%dma_wait3A_130] : memref<10240xi32, #tpu.memory_space<vmem>> -> memref<640xi32, #tpu.memory_space<vmem>>
      %dma_wait3A_132 = tpu.memref_slice %arg9[%run_scoped3A_78, %mul3A_77] : memref<16x10240xi32, #tpu.memory_space<vmem_shared>> -> memref<1x640xi32, #tpu.memory_space<vmem_shared>>
      %dma_wait3A_133 = tpu.memref_squeeze %dma_wait3A_132 : memref<1x640xi32, #tpu.memory_space<vmem_shared>> -> memref<640xi32, #tpu.memory_space<vmem_shared>>
      tpu.wait_dma2 semaphore(%run_scoped3A_119 : memref<!tpu.dma_semaphore, #tpu.memory_space<semaphore_mem>>) src(%dma_wait3A_133 : memref<640xi32, #tpu.memory_space<vmem_shared>>) dst(%dma_wait3A_131 : memref<640xi32, #tpu.memory_space<vmem>>)
      tpu.yield
    }) : () -> ()
    %mul3A_79 = arith.constant 640 : i32
    %mul3A_80 = arith.muli %arg1, %mul3A_79 : i32
    %run_scoped3A_81 = arith.constant 11 : i32
    "tpu.region"() ({
      %run_scoped3A_119 = tpu.sem_alloc : memref<!tpu.dma_semaphore, #tpu.memory_space<semaphore_mem>>
      %dma_start3A = arith.constant 7040 : i32
      %dma_start3A_120 = tpu.memref_slice %arg6[%dma_start3A] : memref<10240xi32, #tpu.memory_space<vmem>> -> memref<640xi32, #tpu.memory_space<vmem>>
      %dma_start3A_121 = tpu.memref_slice %arg9[%run_scoped3A_81, %mul3A_80] : memref<16x10240xi32, #tpu.memory_space<vmem_shared>> -> memref<1x640xi32, #tpu.memory_space<vmem_shared>>
      %dma_start3A_122 = tpu.memref_squeeze %dma_start3A_121 : memref<1x640xi32, #tpu.memory_space<vmem_shared>> -> memref<640xi32, #tpu.memory_space<vmem_shared>>
      %dma_start3A_123 = arith.constant 7040 : i32
      %dma_start3A_124 = tpu.memref_slice %arg6[%dma_start3A_123] : memref<10240xi32, #tpu.memory_space<vmem>> -> memref<640xi32, #tpu.memory_space<vmem>>
      %dma_start3A_125 = tpu.memref_slice %arg9[%run_scoped3A_81, %mul3A_80] : memref<16x10240xi32, #tpu.memory_space<vmem_shared>> -> memref<1x640xi32, #tpu.memory_space<vmem_shared>>
      %dma_start3A_126 = tpu.memref_squeeze %dma_start3A_125 : memref<1x640xi32, #tpu.memory_space<vmem_shared>> -> memref<640xi32, #tpu.memory_space<vmem_shared>>
      tpu.enqueue_dma source(%dma_start3A_126 : memref<640xi32, #tpu.memory_space<vmem_shared>>) target(%dma_start3A_124 : memref<640xi32, #tpu.memory_space<vmem>>) target_semaphore(%run_scoped3A_119 : memref<!tpu.dma_semaphore, #tpu.memory_space<semaphore_mem>>)
      %dma_wait3A = arith.constant 7040 : i32
      %dma_wait3A_127 = tpu.memref_slice %arg6[%dma_wait3A] : memref<10240xi32, #tpu.memory_space<vmem>> -> memref<640xi32, #tpu.memory_space<vmem>>
      %dma_wait3A_128 = tpu.memref_slice %arg9[%run_scoped3A_81, %mul3A_80] : memref<16x10240xi32, #tpu.memory_space<vmem_shared>> -> memref<1x640xi32, #tpu.memory_space<vmem_shared>>
      %dma_wait3A_129 = tpu.memref_squeeze %dma_wait3A_128 : memref<1x640xi32, #tpu.memory_space<vmem_shared>> -> memref<640xi32, #tpu.memory_space<vmem_shared>>
      %dma_wait3A_130 = arith.constant 7040 : i32
      %dma_wait3A_131 = tpu.memref_slice %arg6[%dma_wait3A_130] : memref<10240xi32, #tpu.memory_space<vmem>> -> memref<640xi32, #tpu.memory_space<vmem>>
      %dma_wait3A_132 = tpu.memref_slice %arg9[%run_scoped3A_81, %mul3A_80] : memref<16x10240xi32, #tpu.memory_space<vmem_shared>> -> memref<1x640xi32, #tpu.memory_space<vmem_shared>>
      %dma_wait3A_133 = tpu.memref_squeeze %dma_wait3A_132 : memref<1x640xi32, #tpu.memory_space<vmem_shared>> -> memref<640xi32, #tpu.memory_space<vmem_shared>>
      tpu.wait_dma2 semaphore(%run_scoped3A_119 : memref<!tpu.dma_semaphore, #tpu.memory_space<semaphore_mem>>) src(%dma_wait3A_133 : memref<640xi32, #tpu.memory_space<vmem_shared>>) dst(%dma_wait3A_131 : memref<640xi32, #tpu.memory_space<vmem>>)
      tpu.yield
    }) : () -> ()
    %mul3A_82 = arith.constant 640 : i32
    %mul3A_83 = arith.muli %arg1, %mul3A_82 : i32
    %run_scoped3A_84 = arith.constant 12 : i32
    "tpu.region"() ({
      %run_scoped3A_119 = tpu.sem_alloc : memref<!tpu.dma_semaphore, #tpu.memory_space<semaphore_mem>>
      %dma_start3A = arith.constant 7680 : i32
      %dma_start3A_120 = tpu.memref_slice %arg6[%dma_start3A] : memref<10240xi32, #tpu.memory_space<vmem>> -> memref<640xi32, #tpu.memory_space<vmem>>
      %dma_start3A_121 = tpu.memref_slice %arg9[%run_scoped3A_84, %mul3A_83] : memref<16x10240xi32, #tpu.memory_space<vmem_shared>> -> memref<1x640xi32, #tpu.memory_space<vmem_shared>>
      %dma_start3A_122 = tpu.memref_squeeze %dma_start3A_121 : memref<1x640xi32, #tpu.memory_space<vmem_shared>> -> memref<640xi32, #tpu.memory_space<vmem_shared>>
      %dma_start3A_123 = arith.constant 7680 : i32
      %dma_start3A_124 = tpu.memref_slice %arg6[%dma_start3A_123] : memref<10240xi32, #tpu.memory_space<vmem>> -> memref<640xi32, #tpu.memory_space<vmem>>
      %dma_start3A_125 = tpu.memref_slice %arg9[%run_scoped3A_84, %mul3A_83] : memref<16x10240xi32, #tpu.memory_space<vmem_shared>> -> memref<1x640xi32, #tpu.memory_space<vmem_shared>>
      %dma_start3A_126 = tpu.memref_squeeze %dma_start3A_125 : memref<1x640xi32, #tpu.memory_space<vmem_shared>> -> memref<640xi32, #tpu.memory_space<vmem_shared>>
      tpu.enqueue_dma source(%dma_start3A_126 : memref<640xi32, #tpu.memory_space<vmem_shared>>) target(%dma_start3A_124 : memref<640xi32, #tpu.memory_space<vmem>>) target_semaphore(%run_scoped3A_119 : memref<!tpu.dma_semaphore, #tpu.memory_space<semaphore_mem>>)
      %dma_wait3A = arith.constant 7680 : i32
      %dma_wait3A_127 = tpu.memref_slice %arg6[%dma_wait3A] : memref<10240xi32, #tpu.memory_space<vmem>> -> memref<640xi32, #tpu.memory_space<vmem>>
      %dma_wait3A_128 = tpu.memref_slice %arg9[%run_scoped3A_84, %mul3A_83] : memref<16x10240xi32, #tpu.memory_space<vmem_shared>> -> memref<1x640xi32, #tpu.memory_space<vmem_shared>>
      %dma_wait3A_129 = tpu.memref_squeeze %dma_wait3A_128 : memref<1x640xi32, #tpu.memory_space<vmem_shared>> -> memref<640xi32, #tpu.memory_space<vmem_shared>>
      %dma_wait3A_130 = arith.constant 7680 : i32
      %dma_wait3A_131 = tpu.memref_slice %arg6[%dma_wait3A_130] : memref<10240xi32, #tpu.memory_space<vmem>> -> memref<640xi32, #tpu.memory_space<vmem>>
      %dma_wait3A_132 = tpu.memref_slice %arg9[%run_scoped3A_84, %mul3A_83] : memref<16x10240xi32, #tpu.memory_space<vmem_shared>> -> memref<1x640xi32, #tpu.memory_space<vmem_shared>>
      %dma_wait3A_133 = tpu.memref_squeeze %dma_wait3A_132 : memref<1x640xi32, #tpu.memory_space<vmem_shared>> -> memref<640xi32, #tpu.memory_space<vmem_shared>>
      tpu.wait_dma2 semaphore(%run_scoped3A_119 : memref<!tpu.dma_semaphore, #tpu.memory_space<semaphore_mem>>) src(%dma_wait3A_133 : memref<640xi32, #tpu.memory_space<vmem_shared>>) dst(%dma_wait3A_131 : memref<640xi32, #tpu.memory_space<vmem>>)
      tpu.yield
    }) : () -> ()
    %mul3A_85 = arith.constant 640 : i32
    %mul3A_86 = arith.muli %arg1, %mul3A_85 : i32
    %run_scoped3A_87 = arith.constant 13 : i32
    "tpu.region"() ({
      %run_scoped3A_119 = tpu.sem_alloc : memref<!tpu.dma_semaphore, #tpu.memory_space<semaphore_mem>>
      %dma_start3A = arith.constant 8320 : i32
      %dma_start3A_120 = tpu.memref_slice %arg6[%dma_start3A] : memref<10240xi32, #tpu.memory_space<vmem>> -> memref<640xi32, #tpu.memory_space<vmem>>
      %dma_start3A_121 = tpu.memref_slice %arg9[%run_scoped3A_87, %mul3A_86] : memref<16x10240xi32, #tpu.memory_space<vmem_shared>> -> memref<1x640xi32, #tpu.memory_space<vmem_shared>>
      %dma_start3A_122 = tpu.memref_squeeze %dma_start3A_121 : memref<1x640xi32, #tpu.memory_space<vmem_shared>> -> memref<640xi32, #tpu.memory_space<vmem_shared>>
      %dma_start3A_123 = arith.constant 8320 : i32
      %dma_start3A_124 = tpu.memref_slice %arg6[%dma_start3A_123] : memref<10240xi32, #tpu.memory_space<vmem>> -> memref<640xi32, #tpu.memory_space<vmem>>
      %dma_start3A_125 = tpu.memref_slice %arg9[%run_scoped3A_87, %mul3A_86] : memref<16x10240xi32, #tpu.memory_space<vmem_shared>> -> memref<1x640xi32, #tpu.memory_space<vmem_shared>>
      %dma_start3A_126 = tpu.memref_squeeze %dma_start3A_125 : memref<1x640xi32, #tpu.memory_space<vmem_shared>> -> memref<640xi32, #tpu.memory_space<vmem_shared>>
      tpu.enqueue_dma source(%dma_start3A_126 : memref<640xi32, #tpu.memory_space<vmem_shared>>) target(%dma_start3A_124 : memref<640xi32, #tpu.memory_space<vmem>>) target_semaphore(%run_scoped3A_119 : memref<!tpu.dma_semaphore, #tpu.memory_space<semaphore_mem>>)
      %dma_wait3A = arith.constant 8320 : i32
      %dma_wait3A_127 = tpu.memref_slice %arg6[%dma_wait3A] : memref<10240xi32, #tpu.memory_space<vmem>> -> memref<640xi32, #tpu.memory_space<vmem>>
      %dma_wait3A_128 = tpu.memref_slice %arg9[%run_scoped3A_87, %mul3A_86] : memref<16x10240xi32, #tpu.memory_space<vmem_shared>> -> memref<1x640xi32, #tpu.memory_space<vmem_shared>>
      %dma_wait3A_129 = tpu.memref_squeeze %dma_wait3A_128 : memref<1x640xi32, #tpu.memory_space<vmem_shared>> -> memref<640xi32, #tpu.memory_space<vmem_shared>>
      %dma_wait3A_130 = arith.constant 8320 : i32
      %dma_wait3A_131 = tpu.memref_slice %arg6[%dma_wait3A_130] : memref<10240xi32, #tpu.memory_space<vmem>> -> memref<640xi32, #tpu.memory_space<vmem>>
      %dma_wait3A_132 = tpu.memref_slice %arg9[%run_scoped3A_87, %mul3A_86] : memref<16x10240xi32, #tpu.memory_space<vmem_shared>> -> memref<1x640xi32, #tpu.memory_space<vmem_shared>>
      %dma_wait3A_133 = tpu.memref_squeeze %dma_wait3A_132 : memref<1x640xi32, #tpu.memory_space<vmem_shared>> -> memref<640xi32, #tpu.memory_space<vmem_shared>>
      tpu.wait_dma2 semaphore(%run_scoped3A_119 : memref<!tpu.dma_semaphore, #tpu.memory_space<semaphore_mem>>) src(%dma_wait3A_133 : memref<640xi32, #tpu.memory_space<vmem_shared>>) dst(%dma_wait3A_131 : memref<640xi32, #tpu.memory_space<vmem>>)
      tpu.yield
    }) : () -> ()
    %mul3A_88 = arith.constant 640 : i32
    %mul3A_89 = arith.muli %arg1, %mul3A_88 : i32
    %run_scoped3A_90 = arith.constant 14 : i32
    "tpu.region"() ({
      %run_scoped3A_119 = tpu.sem_alloc : memref<!tpu.dma_semaphore, #tpu.memory_space<semaphore_mem>>
      %dma_start3A = arith.constant 8960 : i32
      %dma_start3A_120 = tpu.memref_slice %arg6[%dma_start3A] : memref<10240xi32, #tpu.memory_space<vmem>> -> memref<640xi32, #tpu.memory_space<vmem>>
      %dma_start3A_121 = tpu.memref_slice %arg9[%run_scoped3A_90, %mul3A_89] : memref<16x10240xi32, #tpu.memory_space<vmem_shared>> -> memref<1x640xi32, #tpu.memory_space<vmem_shared>>
      %dma_start3A_122 = tpu.memref_squeeze %dma_start3A_121 : memref<1x640xi32, #tpu.memory_space<vmem_shared>> -> memref<640xi32, #tpu.memory_space<vmem_shared>>
      %dma_start3A_123 = arith.constant 8960 : i32
      %dma_start3A_124 = tpu.memref_slice %arg6[%dma_start3A_123] : memref<10240xi32, #tpu.memory_space<vmem>> -> memref<640xi32, #tpu.memory_space<vmem>>
      %dma_start3A_125 = tpu.memref_slice %arg9[%run_scoped3A_90, %mul3A_89] : memref<16x10240xi32, #tpu.memory_space<vmem_shared>> -> memref<1x640xi32, #tpu.memory_space<vmem_shared>>
      %dma_start3A_126 = tpu.memref_squeeze %dma_start3A_125 : memref<1x640xi32, #tpu.memory_space<vmem_shared>> -> memref<640xi32, #tpu.memory_space<vmem_shared>>
      tpu.enqueue_dma source(%dma_start3A_126 : memref<640xi32, #tpu.memory_space<vmem_shared>>) target(%dma_start3A_124 : memref<640xi32, #tpu.memory_space<vmem>>) target_semaphore(%run_scoped3A_119 : memref<!tpu.dma_semaphore, #tpu.memory_space<semaphore_mem>>)
      %dma_wait3A = arith.constant 8960 : i32
      %dma_wait3A_127 = tpu.memref_slice %arg6[%dma_wait3A] : memref<10240xi32, #tpu.memory_space<vmem>> -> memref<640xi32, #tpu.memory_space<vmem>>
      %dma_wait3A_128 = tpu.memref_slice %arg9[%run_scoped3A_90, %mul3A_89] : memref<16x10240xi32, #tpu.memory_space<vmem_shared>> -> memref<1x640xi32, #tpu.memory_space<vmem_shared>>
      %dma_wait3A_129 = tpu.memref_squeeze %dma_wait3A_128 : memref<1x640xi32, #tpu.memory_space<vmem_shared>> -> memref<640xi32, #tpu.memory_space<vmem_shared>>
      %dma_wait3A_130 = arith.constant 8960 : i32
      %dma_wait3A_131 = tpu.memref_slice %arg6[%dma_wait3A_130] : memref<10240xi32, #tpu.memory_space<vmem>> -> memref<640xi32, #tpu.memory_space<vmem>>
      %dma_wait3A_132 = tpu.memref_slice %arg9[%run_scoped3A_90, %mul3A_89] : memref<16x10240xi32, #tpu.memory_space<vmem_shared>> -> memref<1x640xi32, #tpu.memory_space<vmem_shared>>
      %dma_wait3A_133 = tpu.memref_squeeze %dma_wait3A_132 : memref<1x640xi32, #tpu.memory_space<vmem_shared>> -> memref<640xi32, #tpu.memory_space<vmem_shared>>
      tpu.wait_dma2 semaphore(%run_scoped3A_119 : memref<!tpu.dma_semaphore, #tpu.memory_space<semaphore_mem>>) src(%dma_wait3A_133 : memref<640xi32, #tpu.memory_space<vmem_shared>>) dst(%dma_wait3A_131 : memref<640xi32, #tpu.memory_space<vmem>>)
      tpu.yield
    }) : () -> ()
    %mul3A_91 = arith.constant 640 : i32
    %mul3A_92 = arith.muli %arg1, %mul3A_91 : i32
    %run_scoped3A_93 = arith.constant 15 : i32
    "tpu.region"() ({
      %run_scoped3A_119 = tpu.sem_alloc : memref<!tpu.dma_semaphore, #tpu.memory_space<semaphore_mem>>
      %dma_start3A = arith.constant 9600 : i32
      %dma_start3A_120 = tpu.memref_slice %arg6[%dma_start3A] : memref<10240xi32, #tpu.memory_space<vmem>> -> memref<640xi32, #tpu.memory_space<vmem>>
      %dma_start3A_121 = tpu.memref_slice %arg9[%run_scoped3A_93, %mul3A_92] : memref<16x10240xi32, #tpu.memory_space<vmem_shared>> -> memref<1x640xi32, #tpu.memory_space<vmem_shared>>
      %dma_start3A_122 = tpu.memref_squeeze %dma_start3A_121 : memref<1x640xi32, #tpu.memory_space<vmem_shared>> -> memref<640xi32, #tpu.memory_space<vmem_shared>>
      %dma_start3A_123 = arith.constant 9600 : i32
      %dma_start3A_124 = tpu.memref_slice %arg6[%dma_start3A_123] : memref<10240xi32, #tpu.memory_space<vmem>> -> memref<640xi32, #tpu.memory_space<vmem>>
      %dma_start3A_125 = tpu.memref_slice %arg9[%run_scoped3A_93, %mul3A_92] : memref<16x10240xi32, #tpu.memory_space<vmem_shared>> -> memref<1x640xi32, #tpu.memory_space<vmem_shared>>
      %dma_start3A_126 = tpu.memref_squeeze %dma_start3A_125 : memref<1x640xi32, #tpu.memory_space<vmem_shared>> -> memref<640xi32, #tpu.memory_space<vmem_shared>>
      tpu.enqueue_dma source(%dma_start3A_126 : memref<640xi32, #tpu.memory_space<vmem_shared>>) target(%dma_start3A_124 : memref<640xi32, #tpu.memory_space<vmem>>) target_semaphore(%run_scoped3A_119 : memref<!tpu.dma_semaphore, #tpu.memory_space<semaphore_mem>>)
      %dma_wait3A = arith.constant 9600 : i32
      %dma_wait3A_127 = tpu.memref_slice %arg6[%dma_wait3A] : memref<10240xi32, #tpu.memory_space<vmem>> -> memref<640xi32, #tpu.memory_space<vmem>>
      %dma_wait3A_128 = tpu.memref_slice %arg9[%run_scoped3A_93, %mul3A_92] : memref<16x10240xi32, #tpu.memory_space<vmem_shared>> -> memref<1x640xi32, #tpu.memory_space<vmem_shared>>
      %dma_wait3A_129 = tpu.memref_squeeze %dma_wait3A_128 : memref<1x640xi32, #tpu.memory_space<vmem_shared>> -> memref<640xi32, #tpu.memory_space<vmem_shared>>
      %dma_wait3A_130 = arith.constant 9600 : i32
      %dma_wait3A_131 = tpu.memref_slice %arg6[%dma_wait3A_130] : memref<10240xi32, #tpu.memory_space<vmem>> -> memref<640xi32, #tpu.memory_space<vmem>>
      %dma_wait3A_132 = tpu.memref_slice %arg9[%run_scoped3A_93, %mul3A_92] : memref<16x10240xi32, #tpu.memory_space<vmem_shared>> -> memref<1x640xi32, #tpu.memory_space<vmem_shared>>
      %dma_wait3A_133 = tpu.memref_squeeze %dma_wait3A_132 : memref<1x640xi32, #tpu.memory_space<vmem_shared>> -> memref<640xi32, #tpu.memory_space<vmem_shared>>
      tpu.wait_dma2 semaphore(%run_scoped3A_119 : memref<!tpu.dma_semaphore, #tpu.memory_space<semaphore_mem>>) src(%dma_wait3A_133 : memref<640xi32, #tpu.memory_space<vmem_shared>>) dst(%dma_wait3A_131 : memref<640xi32, #tpu.memory_space<vmem>>)
      tpu.yield
    }) : () -> ()
    %scan3A_94 = arith.constant 0 : i32
    %scan3A_95 = arith.constant 0 : i32
    %scan3A_96 = arith.constant 40 : i32
    %scan3A_97 = arith.addi %scan3A_95, %scan3A_96 : i32
    %scan3A_98 = arith.constant 1 : i32
    scf.for %scan3A_119 = %scan3A_95 to %scan3A_97 step %scan3A_98  : i32 {
      %mul3A_120 = arith.constant 16 : i32
      %mul3A_121 = arith.muli %scan3A_119, %mul3A_120 : i32
      %add3A_122 = arith.constant 0 : i32
      %add3A_123 = arith.addi %add3A_122, %mul3A_121 : i32
      %get3A = arith.index_cast %add3A_123 : i32 to index
      %get3A_124 = tpu.vector_load %arg6[%get3A] {strides = array<i32>} : memref<10240xi32, #tpu.memory_space<vmem>>, vector<16xi32>,
      %add3A_125 = arith.addi %broadcast_in_dim3A_33, %get3A_124 : vector<16xi32>
      %mul3A_126 = arith.constant 16 : i32
      %mul3A_127 = arith.muli %scan3A_119, %mul3A_126 : i32
      %add3A_128 = arith.constant 640 : i32
      %add3A_129 = arith.addi %add3A_128, %mul3A_127 : i32
      %get3A_130 = arith.index_cast %add3A_129 : i32 to index
      %get3A_131 = tpu.vector_load %arg6[%get3A_130] {strides = array<i32>} : memref<10240xi32, #tpu.memory_space<vmem>>, vector<16xi32>,
      %add3A_132 = arith.addi %add3A_125, %get3A_131 : vector<16xi32>
      %mul3A_133 = arith.constant 16 : i32
      %mul3A_134 = arith.muli %scan3A_119, %mul3A_133 : i32
      %add3A_135 = arith.constant 1280 : i32
      %add3A_136 = arith.addi %add3A_135, %mul3A_134 : i32
      %get3A_137 = arith.index_cast %add3A_136 : i32 to index
      %get3A_138 = tpu.vector_load %arg6[%get3A_137] {strides = array<i32>} : memref<10240xi32, #tpu.memory_space<vmem>>, vector<16xi32>,
      %add3A_139 = arith.addi %add3A_132, %get3A_138 : vector<16xi32>
      %mul3A_140 = arith.constant 16 : i32
      %mul3A_141 = arith.muli %scan3A_119, %mul3A_140 : i32
      %add3A_142 = arith.constant 1920 : i32
      %add3A_143 = arith.addi %add3A_142, %mul3A_141 : i32
      %get3A_144 = arith.index_cast %add3A_143 : i32 to index
      %get3A_145 = tpu.vector_load %arg6[%get3A_144] {strides = array<i32>} : memref<10240xi32, #tpu.memory_space<vmem>>, vector<16xi32>,
      %add3A_146 = arith.addi %add3A_139, %get3A_145 : vector<16xi32>
      %mul3A_147 = arith.constant 16 : i32
      %mul3A_148 = arith.muli %scan3A_119, %mul3A_147 : i32
      %add3A_149 = arith.constant 2560 : i32
      %add3A_150 = arith.addi %add3A_149, %mul3A_148 : i32
      %get3A_151 = arith.index_cast %add3A_150 : i32 to index
      %get3A_152 = tpu.vector_load %arg6[%get3A_151] {strides = array<i32>} : memref<10240xi32, #tpu.memory_space<vmem>>, vector<16xi32>,
      %add3A_153 = arith.addi %add3A_146, %get3A_152 : vector<16xi32>
      %mul3A_154 = arith.constant 16 : i32
      %mul3A_155 = arith.muli %scan3A_119, %mul3A_154 : i32
      %add3A_156 = arith.constant 3200 : i32
      %add3A_157 = arith.addi %add3A_156, %mul3A_155 : i32
      %get3A_158 = arith.index_cast %add3A_157 : i32 to index
      %get3A_159 = tpu.vector_load %arg6[%get3A_158] {strides = array<i32>} : memref<10240xi32, #tpu.memory_space<vmem>>, vector<16xi32>,
      %add3A_160 = arith.addi %add3A_153, %get3A_159 : vector<16xi32>
      %mul3A_161 = arith.constant 16 : i32
      %mul3A_162 = arith.muli %scan3A_119, %mul3A_161 : i32
      %add3A_163 = arith.constant 3840 : i32
      %add3A_164 = arith.addi %add3A_163, %mul3A_162 : i32
      %get3A_165 = arith.index_cast %add3A_164 : i32 to index
      %get3A_166 = tpu.vector_load %arg6[%get3A_165] {strides = array<i32>} : memref<10240xi32, #tpu.memory_space<vmem>>, vector<16xi32>,
      %add3A_167 = arith.addi %add3A_160, %get3A_166 : vector<16xi32>
      %mul3A_168 = arith.constant 16 : i32
      %mul3A_169 = arith.muli %scan3A_119, %mul3A_168 : i32
      %add3A_170 = arith.constant 4480 : i32
      %add3A_171 = arith.addi %add3A_170, %mul3A_169 : i32
      %get3A_172 = arith.index_cast %add3A_171 : i32 to index
      %get3A_173 = tpu.vector_load %arg6[%get3A_172] {strides = array<i32>} : memref<10240xi32, #tpu.memory_space<vmem>>, vector<16xi32>,
      %add3A_174 = arith.addi %add3A_167, %get3A_173 : vector<16xi32>
      %mul3A_175 = arith.constant 16 : i32
      %mul3A_176 = arith.muli %scan3A_119, %mul3A_175 : i32
      %add3A_177 = arith.constant 5120 : i32
      %add3A_178 = arith.addi %add3A_177, %mul3A_176 : i32
      %get3A_179 = arith.index_cast %add3A_178 : i32 to index
      %get3A_180 = tpu.vector_load %arg6[%get3A_179] {strides = array<i32>} : memref<10240xi32, #tpu.memory_space<vmem>>, vector<16xi32>,
      %add3A_181 = arith.addi %add3A_174, %get3A_180 : vector<16xi32>
      %mul3A_182 = arith.constant 16 : i32
      %mul3A_183 = arith.muli %scan3A_119, %mul3A_182 : i32
      %add3A_184 = arith.constant 5760 : i32
      %add3A_185 = arith.addi %add3A_184, %mul3A_183 : i32
      %get3A_186 = arith.index_cast %add3A_185 : i32 to index
      %get3A_187 = tpu.vector_load %arg6[%get3A_186] {strides = array<i32>} : memref<10240xi32, #tpu.memory_space<vmem>>, vector<16xi32>,
      %add3A_188 = arith.addi %add3A_181, %get3A_187 : vector<16xi32>
      %mul3A_189 = arith.constant 16 : i32
      %mul3A_190 = arith.muli %scan3A_119, %mul3A_189 : i32
      %add3A_191 = arith.constant 6400 : i32
      %add3A_192 = arith.addi %add3A_191, %mul3A_190 : i32
      %get3A_193 = arith.index_cast %add3A_192 : i32 to index
      %get3A_194 = tpu.vector_load %arg6[%get3A_193] {strides = array<i32>} : memref<10240xi32, #tpu.memory_space<vmem>>, vector<16xi32>,
      %add3A_195 = arith.addi %add3A_188, %get3A_194 : vector<16xi32>
      %mul3A_196 = arith.constant 16 : i32
      %mul3A_197 = arith.muli %scan3A_119, %mul3A_196 : i32
      %add3A_198 = arith.constant 7040 : i32
      %add3A_199 = arith.addi %add3A_198, %mul3A_197 : i32
      %get3A_200 = arith.index_cast %add3A_199 : i32 to index
      %get3A_201 = tpu.vector_load %arg6[%get3A_200] {strides = array<i32>} : memref<10240xi32, #tpu.memory_space<vmem>>, vector<16xi32>,
      %add3A_202 = arith.addi %add3A_195, %get3A_201 : vector<16xi32>
      %mul3A_203 = arith.constant 16 : i32
      %mul3A_204 = arith.muli %scan3A_119, %mul3A_203 : i32
      %add3A_205 = arith.constant 7680 : i32
      %add3A_206 = arith.addi %add3A_205, %mul3A_204 : i32
      %get3A_207 = arith.index_cast %add3A_206 : i32 to index
      %get3A_208 = tpu.vector_load %arg6[%get3A_207] {strides = array<i32>} : memref<10240xi32, #tpu.memory_space<vmem>>, vector<16xi32>,
      %add3A_209 = arith.addi %add3A_202, %get3A_208 : vector<16xi32>
      %mul3A_210 = arith.constant 16 : i32
      %mul3A_211 = arith.muli %scan3A_119, %mul3A_210 : i32
      %add3A_212 = arith.constant 8320 : i32
      %add3A_213 = arith.addi %add3A_212, %mul3A_211 : i32
      %get3A_214 = arith.index_cast %add3A_213 : i32 to index
      %get3A_215 = tpu.vector_load %arg6[%get3A_214] {strides = array<i32>} : memref<10240xi32, #tpu.memory_space<vmem>>, vector<16xi32>,
      %add3A_216 = arith.addi %add3A_209, %get3A_215 : vector<16xi32>
      %mul3A_217 = arith.constant 16 : i32
      %mul3A_218 = arith.muli %scan3A_119, %mul3A_217 : i32
      %add3A_219 = arith.constant 8960 : i32
      %add3A_220 = arith.addi %add3A_219, %mul3A_218 : i32
      %get3A_221 = arith.index_cast %add3A_220 : i32 to index
      %get3A_222 = tpu.vector_load %arg6[%get3A_221] {strides = array<i32>} : memref<10240xi32, #tpu.memory_space<vmem>>, vector<16xi32>,
      %add3A_223 = arith.addi %add3A_216, %get3A_222 : vector<16xi32>
      %mul3A_224 = arith.constant 16 : i32
      %mul3A_225 = arith.muli %scan3A_119, %mul3A_224 : i32
      %add3A_226 = arith.constant 9600 : i32
      %add3A_227 = arith.addi %add3A_226, %mul3A_225 : i32
      %get3A_228 = arith.index_cast %add3A_227 : i32 to index
      %get3A_229 = tpu.vector_load %arg6[%get3A_228] {strides = array<i32>} : memref<10240xi32, #tpu.memory_space<vmem>>, vector<16xi32>,
      %add3A_230 = arith.addi %add3A_223, %get3A_229 : vector<16xi32>
      %mul3A_231 = arith.constant 16 : i32
      %mul3A_232 = arith.muli %scan3A_119, %mul3A_231 : i32
      %swap3A = arith.index_cast %mul3A_232 : i32 to index
      %swap3A_233 = tpu.vector_load %arg7[%swap3A] {strides = array<i32>} : memref<640xi32, #tpu.memory_space<vmem>>, vector<16xi32>,
      tpu.vector_store %arg7[%swap3A], %add3A_230 {strides = array<i32>} : memref<640xi32, #tpu.memory_space<vmem>>, vector<16xi32>,
    }
    %scan3A_99 = arith.constant 40 : i32
    %mul3A_100 = arith.constant 640 : i32
    %mul3A_101 = arith.muli %arg1, %mul3A_100 : i32
    "tpu.region"() ({
      %run_scoped3A_119 = tpu.sem_alloc : memref<!tpu.dma_semaphore, #tpu.memory_space<semaphore_mem>>
      %dma_start3A = tpu.memref_slice %arg10[%mul3A_101] : memref<10240xi32, #tpu.memory_space<vmem_shared>> -> memref<640xi32, #tpu.memory_space<vmem_shared>>
      %dma_start3A_120 = tpu.memref_slice %arg10[%mul3A_101] : memref<10240xi32, #tpu.memory_space<vmem_shared>> -> memref<640xi32, #tpu.memory_space<vmem_shared>>
      tpu.enqueue_dma source(%arg7 : memref<640xi32, #tpu.memory_space<vmem>>) target(%dma_start3A_120 : memref<640xi32, #tpu.memory_space<vmem_shared>>) target_semaphore(%run_scoped3A_119 : memref<!tpu.dma_semaphore, #tpu.memory_space<semaphore_mem>>)
      %dma_wait3A = tpu.memref_slice %arg10[%mul3A_101] : memref<10240xi32, #tpu.memory_space<vmem_shared>> -> memref<640xi32, #tpu.memory_space<vmem_shared>>
      %dma_wait3A_121 = tpu.memref_slice %arg10[%mul3A_101] : memref<10240xi32, #tpu.memory_space<vmem_shared>> -> memref<640xi32, #tpu.memory_space<vmem_shared>>
      tpu.wait_dma2 semaphore(%run_scoped3A_119 : memref<!tpu.dma_semaphore, #tpu.memory_space<semaphore_mem>>) src(%arg7 : memref<640xi32, #tpu.memory_space<vmem>>) dst(%dma_wait3A_121 : memref<640xi32, #tpu.memory_space<vmem_shared>>)
      tpu.yield
    }) : () -> ()
    %barrier3A_102 = arith.constant 0 : index
    tpu.barrier barrier_id(%barrier3A_102)
    "tpu.region"() ({
      %run_scoped3A_119 = tpu.sem_alloc : memref<!tpu.dma_semaphore, #tpu.memory_space<semaphore_mem>>
      tpu.enqueue_dma source(%arg10 : memref<10240xi32, #tpu.memory_space<vmem_shared>>) target(%arg5 : memref<10240xi32, #tpu.memory_space<vmem>>) target_semaphore(%run_scoped3A_119 : memref<!tpu.dma_semaphore, #tpu.memory_space<semaphore_mem>>)
      tpu.wait_dma2 semaphore(%run_scoped3A_119 : memref<!tpu.dma_semaphore, #tpu.memory_space<semaphore_mem>>) src(%arg10 : memref<10240xi32, #tpu.memory_space<vmem_shared>>) dst(%arg5 : memref<10240xi32, #tpu.memory_space<vmem>>)
      tpu.yield
    }) : () -> ()
    %mul3A_103 = arith.constant 10000 : i32
    %mul3A_104 = arith.muli %add3A, %mul3A_103 : i32
    %run_scoped3A_105 = arith.constant 0 : i32
    "tpu.region"() ({
      %run_scoped3A_119 = tpu.sem_alloc : memref<!tpu.dma_semaphore, #tpu.memory_space<semaphore_mem>>
      %dma_start3A = arith.constant 0 : i32
      %dma_start3A_120 = tpu.memref_slice %arg4[%dma_start3A] : memref<40000xi32, #tpu.memory_space<vmem>> -> memref<10000xi32, #tpu.memory_space<vmem>>
      %dma_start3A_121 = tpu.memref_slice %arg2[%run_scoped3A_105, %mul3A_104] : memref<2x320000xi32, #tpu.memory_space<hbm>> -> memref<1x10000xi32, #tpu.memory_space<hbm>>
      %dma_start3A_122 = tpu.memref_squeeze %dma_start3A_121 : memref<1x10000xi32, #tpu.memory_space<hbm>> -> memref<10000xi32, #tpu.memory_space<hbm>>
      %dma_start3A_123 = arith.constant 0 : i32
      %dma_start3A_124 = tpu.memref_slice %arg4[%dma_start3A_123] : memref<40000xi32, #tpu.memory_space<vmem>> -> memref<10000xi32, #tpu.memory_space<vmem>>
      %dma_start3A_125 = tpu.memref_slice %arg2[%run_scoped3A_105, %mul3A_104] : memref<2x320000xi32, #tpu.memory_space<hbm>> -> memref<1x10000xi32, #tpu.memory_space<hbm>>
      %dma_start3A_126 = tpu.memref_squeeze %dma_start3A_125 : memref<1x10000xi32, #tpu.memory_space<hbm>> -> memref<10000xi32, #tpu.memory_space<hbm>>
      tpu.enqueue_dma source(%dma_start3A_126 : memref<10000xi32, #tpu.memory_space<hbm>>) target(%dma_start3A_124 : memref<10000xi32, #tpu.memory_space<vmem>>) target_semaphore(%run_scoped3A_119 : memref<!tpu.dma_semaphore, #tpu.memory_space<semaphore_mem>>)
      %dma_wait3A = arith.constant 0 : i32
      %dma_wait3A_127 = tpu.memref_slice %arg4[%dma_wait3A] : memref<40000xi32, #tpu.memory_space<vmem>> -> memref<10000xi32, #tpu.memory_space<vmem>>
      %dma_wait3A_128 = tpu.memref_slice %arg2[%run_scoped3A_105, %mul3A_104] : memref<2x320000xi32, #tpu.memory_space<hbm>> -> memref<1x10000xi32, #tpu.memory_space<hbm>>
      %dma_wait3A_129 = tpu.memref_squeeze %dma_wait3A_128 : memref<1x10000xi32, #tpu.memory_space<hbm>> -> memref<10000xi32, #tpu.memory_space<hbm>>
      %dma_wait3A_130 = arith.constant 0 : i32
      %dma_wait3A_131 = tpu.memref_slice %arg4[%dma_wait3A_130] : memref<40000xi32, #tpu.memory_space<vmem>> -> memref<10000xi32, #tpu.memory_space<vmem>>
      %dma_wait3A_132 = tpu.memref_slice %arg2[%run_scoped3A_105, %mul3A_104] : memref<2x320000xi32, #tpu.memory_space<hbm>> -> memref<1x10000xi32, #tpu.memory_space<hbm>>
      %dma_wait3A_133 = tpu.memref_squeeze %dma_wait3A_132 : memref<1x10000xi32, #tpu.memory_space<hbm>> -> memref<10000xi32, #tpu.memory_space<hbm>>
      tpu.wait_dma2 semaphore(%run_scoped3A_119 : memref<!tpu.dma_semaphore, #tpu.memory_space<semaphore_mem>>) src(%dma_wait3A_133 : memref<10000xi32, #tpu.memory_space<hbm>>) dst(%dma_wait3A_131 : memref<10000xi32, #tpu.memory_space<vmem>>)
      tpu.yield
    }) : () -> ()
    %run_scoped3A_106 = arith.constant 1 : i32
    "tpu.region"() ({
      %run_scoped3A_119 = tpu.sem_alloc : memref<!tpu.dma_semaphore, #tpu.memory_space<semaphore_mem>>
      %dma_start3A = arith.constant 10000 : i32
      %dma_start3A_120 = tpu.memref_slice %arg4[%dma_start3A] : memref<40000xi32, #tpu.memory_space<vmem>> -> memref<10000xi32, #tpu.memory_space<vmem>>
      %dma_start3A_121 = tpu.memref_slice %arg2[%run_scoped3A_106, %mul3A_104] : memref<2x320000xi32, #tpu.memory_space<hbm>> -> memref<1x10000xi32, #tpu.memory_space<hbm>>
      %dma_start3A_122 = tpu.memref_squeeze %dma_start3A_121 : memref<1x10000xi32, #tpu.memory_space<hbm>> -> memref<10000xi32, #tpu.memory_space<hbm>>
      %dma_start3A_123 = arith.constant 10000 : i32
      %dma_start3A_124 = tpu.memref_slice %arg4[%dma_start3A_123] : memref<40000xi32, #tpu.memory_space<vmem>> -> memref<10000xi32, #tpu.memory_space<vmem>>
      %dma_start3A_125 = tpu.memref_slice %arg2[%run_scoped3A_106, %mul3A_104] : memref<2x320000xi32, #tpu.memory_space<hbm>> -> memref<1x10000xi32, #tpu.memory_space<hbm>>
      %dma_start3A_126 = tpu.memref_squeeze %dma_start3A_125 : memref<1x10000xi32, #tpu.memory_space<hbm>> -> memref<10000xi32, #tpu.memory_space<hbm>>
      tpu.enqueue_dma source(%dma_start3A_126 : memref<10000xi32, #tpu.memory_space<hbm>>) target(%dma_start3A_124 : memref<10000xi32, #tpu.memory_space<vmem>>) target_semaphore(%run_scoped3A_119 : memref<!tpu.dma_semaphore, #tpu.memory_space<semaphore_mem>>)
      %dma_wait3A = arith.constant 10000 : i32
      %dma_wait3A_127 = tpu.memref_slice %arg4[%dma_wait3A] : memref<40000xi32, #tpu.memory_space<vmem>> -> memref<10000xi32, #tpu.memory_space<vmem>>
      %dma_wait3A_128 = tpu.memref_slice %arg2[%run_scoped3A_106, %mul3A_104] : memref<2x320000xi32, #tpu.memory_space<hbm>> -> memref<1x10000xi32, #tpu.memory_space<hbm>>
      %dma_wait3A_129 = tpu.memref_squeeze %dma_wait3A_128 : memref<1x10000xi32, #tpu.memory_space<hbm>> -> memref<10000xi32, #tpu.memory_space<hbm>>
      %dma_wait3A_130 = arith.constant 10000 : i32
      %dma_wait3A_131 = tpu.memref_slice %arg4[%dma_wait3A_130] : memref<40000xi32, #tpu.memory_space<vmem>> -> memref<10000xi32, #tpu.memory_space<vmem>>
      %dma_wait3A_132 = tpu.memref_slice %arg2[%run_scoped3A_106, %mul3A_104] : memref<2x320000xi32, #tpu.memory_space<hbm>> -> memref<1x10000xi32, #tpu.memory_space<hbm>>
      %dma_wait3A_133 = tpu.memref_squeeze %dma_wait3A_132 : memref<1x10000xi32, #tpu.memory_space<hbm>> -> memref<10000xi32, #tpu.memory_space<hbm>>
      tpu.wait_dma2 semaphore(%run_scoped3A_119 : memref<!tpu.dma_semaphore, #tpu.memory_space<semaphore_mem>>) src(%dma_wait3A_133 : memref<10000xi32, #tpu.memory_space<hbm>>) dst(%dma_wait3A_131 : memref<10000xi32, #tpu.memory_space<vmem>>)
      tpu.yield
    }) : () -> ()
    %broadcast_in_dim3A_107 = arith.constant 5.000000e-01 : f32
    %broadcast_in_dim3A_108 = vector.broadcast %broadcast_in_dim3A_107 : f32 to vector<16xf32>
    %broadcast_in_dim3A_109 = arith.constant 1.500000e+00 : f32
    %broadcast_in_dim3A_110 = vector.broadcast %broadcast_in_dim3A_109 : f32 to vector<16xf32>
    %broadcast_in_dim3A_111 = arith.constant 1597463007 : i32
    %broadcast_in_dim3A_112 = vector.broadcast %broadcast_in_dim3A_111 : i32 to vector<16xi32>
    %scan3A_113 = arith.constant 0 : i32
    %scan3A_114 = arith.constant 0 : i32
    %scan3A_115 = arith.constant 125 : i32
    %scan3A_116 = arith.addi %scan3A_114, %scan3A_115 : i32
    %scan3A_117 = arith.constant 1 : i32
    scf.for %scan3A_119 = %scan3A_114 to %scan3A_116 step %scan3A_117  : i32 {
      %mul3A_120 = arith.constant 80 : i32
      %mul3A_121 = arith.muli %scan3A_119, %mul3A_120 : i32
      %add3A_122 = arith.constant 0 : i32
      %add3A_123 = arith.addi %mul3A_121, %add3A_122 : i32
      %get3A = arith.index_cast %add3A_123 : i32 to index
      %get3A_124 = tpu.vector_load %arg4[%get3A] {strides = array<i32>} : memref<40000xi32, #tpu.memory_space<vmem>>, vector<16xi32>,
      %add3A_125 = arith.constant 10000 : i32
      %add3A_126 = arith.addi %add3A_125, %add3A_123 : i32
      %get3A_127 = arith.index_cast %add3A_126 : i32 to index
      %get3A_128 = tpu.vector_load %arg4[%get3A_127] {strides = array<i32>} : memref<40000xi32, #tpu.memory_space<vmem>>, vector<16xi32>,
      %gather3A = tpu.vector_load_idx %arg5[%get3A_124] : memref<10240xi32, #tpu.memory_space<vmem>>[vector<16xi32>], vector<16xi32>,
      %gather3A_129 = tpu.vector_load_idx %arg5[%get3A_128] : memref<10240xi32, #tpu.memory_space<vmem>>[vector<16xi32>], vector<16xi32>,
      %add3A_130 = arith.addi %gather3A, %gather3A_129 : vector<16xi32>
      %convert_element_type3A = arith.sitofp %add3A_130 : vector<16xi32> to vector<16xf32>
      %bitcast3A = vector.bitcast %convert_element_type3A : vector<16xf32> to vector<16xi32>
      %shift_right_arithmetic3A = arith.constant 1 : i32
      %shift_right_arithmetic3A_131 = vector.broadcast %shift_right_arithmetic3A : i32 to vector<16xi32>
      %shift_right_arithmetic3A_132 = arith.shrsi %bitcast3A, %shift_right_arithmetic3A_131 : vector<16xi32>
      %sub3A_133 = arith.subi %broadcast_in_dim3A_112, %shift_right_arithmetic3A_132 : vector<16xi32>
      %bitcast3A_134 = vector.bitcast %sub3A_133 : vector<16xi32> to vector<16xf32>
      %mul3A_135 = arith.mulf %broadcast_in_dim3A_108, %convert_element_type3A : vector<16xf32>
      %mul3A_136 = arith.mulf %mul3A_135, %bitcast3A_134 : vector<16xf32>
      %mul3A_137 = arith.mulf %mul3A_136, %bitcast3A_134 : vector<16xf32>
      %sub3A_138 = arith.subf %broadcast_in_dim3A_110, %mul3A_137 : vector<16xf32>
      %mul3A_139 = arith.mulf %bitcast3A_134, %sub3A_138 : vector<16xf32>
      %mul3A_140 = arith.mulf %broadcast_in_dim3A_108, %convert_element_type3A : vector<16xf32>
      %mul3A_141 = arith.mulf %mul3A_140, %mul3A_139 : vector<16xf32>
      %mul3A_142 = arith.mulf %mul3A_141, %mul3A_139 : vector<16xf32>
      %sub3A_143 = arith.subf %broadcast_in_dim3A_110, %mul3A_142 : vector<16xf32>
      %mul3A_144 = arith.mulf %mul3A_139, %sub3A_143 : vector<16xf32>
      %swap3A = arith.index_cast %add3A_123 : i32 to index
      %swap3A_145 = tpu.vector_load %arg8[%swap3A] {strides = array<i32>} : memref<10000xf32, #tpu.memory_space<vmem>>, vector<16xf32>,
      tpu.vector_store %arg8[%swap3A], %mul3A_144 {strides = array<i32>} : memref<10000xf32, #tpu.memory_space<vmem>>, vector<16xf32>,
      %mul3A_146 = arith.constant 80 : i32
      %mul3A_147 = arith.muli %scan3A_119, %mul3A_146 : i32
      %add3A_148 = arith.constant 16 : i32
      %add3A_149 = arith.addi %mul3A_147, %add3A_148 : i32
      %get3A_150 = arith.index_cast %add3A_149 : i32 to index
      %get3A_151 = tpu.vector_load %arg4[%get3A_150] {strides = array<i32>} : memref<40000xi32, #tpu.memory_space<vmem>>, vector<16xi32>,
      %add3A_152 = arith.constant 10000 : i32
      %add3A_153 = arith.addi %add3A_152, %add3A_149 : i32
      %get3A_154 = arith.index_cast %add3A_153 : i32 to index
      %get3A_155 = tpu.vector_load %arg4[%get3A_154] {strides = array<i32>} : memref<40000xi32, #tpu.memory_space<vmem>>, vector<16xi32>,
      %gather3A_156 = tpu.vector_load_idx %arg5[%get3A_151] : memref<10240xi32, #tpu.memory_space<vmem>>[vector<16xi32>], vector<16xi32>,
      %gather3A_157 = tpu.vector_load_idx %arg5[%get3A_155] : memref<10240xi32, #tpu.memory_space<vmem>>[vector<16xi32>], vector<16xi32>,
      %add3A_158 = arith.addi %gather3A_156, %gather3A_157 : vector<16xi32>
      %convert_element_type3A_159 = arith.sitofp %add3A_158 : vector<16xi32> to vector<16xf32>
      %bitcast3A_160 = vector.bitcast %convert_element_type3A_159 : vector<16xf32> to vector<16xi32>
      %shift_right_arithmetic3A_161 = arith.constant 1 : i32
      %shift_right_arithmetic3A_162 = vector.broadcast %shift_right_arithmetic3A_161 : i32 to vector<16xi32>
      %shift_right_arithmetic3A_163 = arith.shrsi %bitcast3A_160, %shift_right_arithmetic3A_162 : vector<16xi32>
      %sub3A_164 = arith.subi %broadcast_in_dim3A_112, %shift_right_arithmetic3A_163 : vector<16xi32>
      %bitcast3A_165 = vector.bitcast %sub3A_164 : vector<16xi32> to vector<16xf32>
      %mul3A_166 = arith.mulf %broadcast_in_dim3A_108, %convert_element_type3A_159 : vector<16xf32>
      %mul3A_167 = arith.mulf %mul3A_166, %bitcast3A_165 : vector<16xf32>
      %mul3A_168 = arith.mulf %mul3A_167, %bitcast3A_165 : vector<16xf32>
      %sub3A_169 = arith.subf %broadcast_in_dim3A_110, %mul3A_168 : vector<16xf32>
      %mul3A_170 = arith.mulf %bitcast3A_165, %sub3A_169 : vector<16xf32>
      %mul3A_171 = arith.mulf %broadcast_in_dim3A_108, %convert_element_type3A_159 : vector<16xf32>
      %mul3A_172 = arith.mulf %mul3A_171, %mul3A_170 : vector<16xf32>
      %mul3A_173 = arith.mulf %mul3A_172, %mul3A_170 : vector<16xf32>
      %sub3A_174 = arith.subf %broadcast_in_dim3A_110, %mul3A_173 : vector<16xf32>
      %mul3A_175 = arith.mulf %mul3A_170, %sub3A_174 : vector<16xf32>
      %swap3A_176 = arith.index_cast %add3A_149 : i32 to index
      %swap3A_177 = tpu.vector_load %arg8[%swap3A_176] {strides = array<i32>} : memref<10000xf32, #tpu.memory_space<vmem>>, vector<16xf32>,
      tpu.vector_store %arg8[%swap3A_176], %mul3A_175 {strides = array<i32>} : memref<10000xf32, #tpu.memory_space<vmem>>, vector<16xf32>,
      %mul3A_178 = arith.constant 80 : i32
      %mul3A_179 = arith.muli %scan3A_119, %mul3A_178 : i32
      %add3A_180 = arith.constant 32 : i32
      %add3A_181 = arith.addi %mul3A_179, %add3A_180 : i32
      %get3A_182 = arith.index_cast %add3A_181 : i32 to index
      %get3A_183 = tpu.vector_load %arg4[%get3A_182] {strides = array<i32>} : memref<40000xi32, #tpu.memory_space<vmem>>, vector<16xi32>,
      %add3A_184 = arith.constant 10000 : i32
      %add3A_185 = arith.addi %add3A_184, %add3A_181 : i32
      %get3A_186 = arith.index_cast %add3A_185 : i32 to index
      %get3A_187 = tpu.vector_load %arg4[%get3A_186] {strides = array<i32>} : memref<40000xi32, #tpu.memory_space<vmem>>, vector<16xi32>,
      %gather3A_188 = tpu.vector_load_idx %arg5[%get3A_183] : memref<10240xi32, #tpu.memory_space<vmem>>[vector<16xi32>], vector<16xi32>,
      %gather3A_189 = tpu.vector_load_idx %arg5[%get3A_187] : memref<10240xi32, #tpu.memory_space<vmem>>[vector<16xi32>], vector<16xi32>,
      %add3A_190 = arith.addi %gather3A_188, %gather3A_189 : vector<16xi32>
      %convert_element_type3A_191 = arith.sitofp %add3A_190 : vector<16xi32> to vector<16xf32>
      %bitcast3A_192 = vector.bitcast %convert_element_type3A_191 : vector<16xf32> to vector<16xi32>
      %shift_right_arithmetic3A_193 = arith.constant 1 : i32
      %shift_right_arithmetic3A_194 = vector.broadcast %shift_right_arithmetic3A_193 : i32 to vector<16xi32>
      %shift_right_arithmetic3A_195 = arith.shrsi %bitcast3A_192, %shift_right_arithmetic3A_194 : vector<16xi32>
      %sub3A_196 = arith.subi %broadcast_in_dim3A_112, %shift_right_arithmetic3A_195 : vector<16xi32>
      %bitcast3A_197 = vector.bitcast %sub3A_196 : vector<16xi32> to vector<16xf32>
      %mul3A_198 = arith.mulf %broadcast_in_dim3A_108, %convert_element_type3A_191 : vector<16xf32>
      %mul3A_199 = arith.mulf %mul3A_198, %bitcast3A_197 : vector<16xf32>
      %mul3A_200 = arith.mulf %mul3A_199, %bitcast3A_197 : vector<16xf32>
      %sub3A_201 = arith.subf %broadcast_in_dim3A_110, %mul3A_200 : vector<16xf32>
      %mul3A_202 = arith.mulf %bitcast3A_197, %sub3A_201 : vector<16xf32>
      %mul3A_203 = arith.mulf %broadcast_in_dim3A_108, %convert_element_type3A_191 : vector<16xf32>
      %mul3A_204 = arith.mulf %mul3A_203, %mul3A_202 : vector<16xf32>
      %mul3A_205 = arith.mulf %mul3A_204, %mul3A_202 : vector<16xf32>
      %sub3A_206 = arith.subf %broadcast_in_dim3A_110, %mul3A_205 : vector<16xf32>
      %mul3A_207 = arith.mulf %mul3A_202, %sub3A_206 : vector<16xf32>
      %swap3A_208 = arith.index_cast %add3A_181 : i32 to index
      %swap3A_209 = tpu.vector_load %arg8[%swap3A_208] {strides = array<i32>} : memref<10000xf32, #tpu.memory_space<vmem>>, vector<16xf32>,
      tpu.vector_store %arg8[%swap3A_208], %mul3A_207 {strides = array<i32>} : memref<10000xf32, #tpu.memory_space<vmem>>, vector<16xf32>,
      %mul3A_210 = arith.constant 80 : i32
      %mul3A_211 = arith.muli %scan3A_119, %mul3A_210 : i32
      %add3A_212 = arith.constant 48 : i32
      %add3A_213 = arith.addi %mul3A_211, %add3A_212 : i32
      %get3A_214 = arith.index_cast %add3A_213 : i32 to index
      %get3A_215 = tpu.vector_load %arg4[%get3A_214] {strides = array<i32>} : memref<40000xi32, #tpu.memory_space<vmem>>, vector<16xi32>,
      %add3A_216 = arith.constant 10000 : i32
      %add3A_217 = arith.addi %add3A_216, %add3A_213 : i32
      %get3A_218 = arith.index_cast %add3A_217 : i32 to index
      %get3A_219 = tpu.vector_load %arg4[%get3A_218] {strides = array<i32>} : memref<40000xi32, #tpu.memory_space<vmem>>, vector<16xi32>,
      %gather3A_220 = tpu.vector_load_idx %arg5[%get3A_215] : memref<10240xi32, #tpu.memory_space<vmem>>[vector<16xi32>], vector<16xi32>,
      %gather3A_221 = tpu.vector_load_idx %arg5[%get3A_219] : memref<10240xi32, #tpu.memory_space<vmem>>[vector<16xi32>], vector<16xi32>,
      %add3A_222 = arith.addi %gather3A_220, %gather3A_221 : vector<16xi32>
      %convert_element_type3A_223 = arith.sitofp %add3A_222 : vector<16xi32> to vector<16xf32>
      %bitcast3A_224 = vector.bitcast %convert_element_type3A_223 : vector<16xf32> to vector<16xi32>
      %shift_right_arithmetic3A_225 = arith.constant 1 : i32
      %shift_right_arithmetic3A_226 = vector.broadcast %shift_right_arithmetic3A_225 : i32 to vector<16xi32>
      %shift_right_arithmetic3A_227 = arith.shrsi %bitcast3A_224, %shift_right_arithmetic3A_226 : vector<16xi32>
      %sub3A_228 = arith.subi %broadcast_in_dim3A_112, %shift_right_arithmetic3A_227 : vector<16xi32>
      %bitcast3A_229 = vector.bitcast %sub3A_228 : vector<16xi32> to vector<16xf32>
      %mul3A_230 = arith.mulf %broadcast_in_dim3A_108, %convert_element_type3A_223 : vector<16xf32>
      %mul3A_231 = arith.mulf %mul3A_230, %bitcast3A_229 : vector<16xf32>
      %mul3A_232 = arith.mulf %mul3A_231, %bitcast3A_229 : vector<16xf32>
      %sub3A_233 = arith.subf %broadcast_in_dim3A_110, %mul3A_232 : vector<16xf32>
      %mul3A_234 = arith.mulf %bitcast3A_229, %sub3A_233 : vector<16xf32>
      %mul3A_235 = arith.mulf %broadcast_in_dim3A_108, %convert_element_type3A_223 : vector<16xf32>
      %mul3A_236 = arith.mulf %mul3A_235, %mul3A_234 : vector<16xf32>
      %mul3A_237 = arith.mulf %mul3A_236, %mul3A_234 : vector<16xf32>
      %sub3A_238 = arith.subf %broadcast_in_dim3A_110, %mul3A_237 : vector<16xf32>
      %mul3A_239 = arith.mulf %mul3A_234, %sub3A_238 : vector<16xf32>
      %swap3A_240 = arith.index_cast %add3A_213 : i32 to index
      %swap3A_241 = tpu.vector_load %arg8[%swap3A_240] {strides = array<i32>} : memref<10000xf32, #tpu.memory_space<vmem>>, vector<16xf32>,
      tpu.vector_store %arg8[%swap3A_240], %mul3A_239 {strides = array<i32>} : memref<10000xf32, #tpu.memory_space<vmem>>, vector<16xf32>,
      %mul3A_242 = arith.constant 80 : i32
      %mul3A_243 = arith.muli %scan3A_119, %mul3A_242 : i32
      %add3A_244 = arith.constant 64 : i32
      %add3A_245 = arith.addi %mul3A_243, %add3A_244 : i32
      %get3A_246 = arith.index_cast %add3A_245 : i32 to index
      %get3A_247 = tpu.vector_load %arg4[%get3A_246] {strides = array<i32>} : memref<40000xi32, #tpu.memory_space<vmem>>, vector<16xi32>,
      %add3A_248 = arith.constant 10000 : i32
      %add3A_249 = arith.addi %add3A_248, %add3A_245 : i32
      %get3A_250 = arith.index_cast %add3A_249 : i32 to index
      %get3A_251 = tpu.vector_load %arg4[%get3A_250] {strides = array<i32>} : memref<40000xi32, #tpu.memory_space<vmem>>, vector<16xi32>,
      %gather3A_252 = tpu.vector_load_idx %arg5[%get3A_247] : memref<10240xi32, #tpu.memory_space<vmem>>[vector<16xi32>], vector<16xi32>,
      %gather3A_253 = tpu.vector_load_idx %arg5[%get3A_251] : memref<10240xi32, #tpu.memory_space<vmem>>[vector<16xi32>], vector<16xi32>,
      %add3A_254 = arith.addi %gather3A_252, %gather3A_253 : vector<16xi32>
      %convert_element_type3A_255 = arith.sitofp %add3A_254 : vector<16xi32> to vector<16xf32>
      %bitcast3A_256 = vector.bitcast %convert_element_type3A_255 : vector<16xf32> to vector<16xi32>
      %shift_right_arithmetic3A_257 = arith.constant 1 : i32
      %shift_right_arithmetic3A_258 = vector.broadcast %shift_right_arithmetic3A_257 : i32 to vector<16xi32>
      %shift_right_arithmetic3A_259 = arith.shrsi %bitcast3A_256, %shift_right_arithmetic3A_258 : vector<16xi32>
      %sub3A_260 = arith.subi %broadcast_in_dim3A_112, %shift_right_arithmetic3A_259 : vector<16xi32>
      %bitcast3A_261 = vector.bitcast %sub3A_260 : vector<16xi32> to vector<16xf32>
      %mul3A_262 = arith.mulf %broadcast_in_dim3A_108, %convert_element_type3A_255 : vector<16xf32>
      %mul3A_263 = arith.mulf %mul3A_262, %bitcast3A_261 : vector<16xf32>
      %mul3A_264 = arith.mulf %mul3A_263, %bitcast3A_261 : vector<16xf32>
      %sub3A_265 = arith.subf %broadcast_in_dim3A_110, %mul3A_264 : vector<16xf32>
      %mul3A_266 = arith.mulf %bitcast3A_261, %sub3A_265 : vector<16xf32>
      %mul3A_267 = arith.mulf %broadcast_in_dim3A_108, %convert_element_type3A_255 : vector<16xf32>
      %mul3A_268 = arith.mulf %mul3A_267, %mul3A_266 : vector<16xf32>
      %mul3A_269 = arith.mulf %mul3A_268, %mul3A_266 : vector<16xf32>
      %sub3A_270 = arith.subf %broadcast_in_dim3A_110, %mul3A_269 : vector<16xf32>
      %mul3A_271 = arith.mulf %mul3A_266, %sub3A_270 : vector<16xf32>
      %swap3A_272 = arith.index_cast %add3A_245 : i32 to index
      %swap3A_273 = tpu.vector_load %arg8[%swap3A_272] {strides = array<i32>} : memref<10000xf32, #tpu.memory_space<vmem>>, vector<16xf32>,
      tpu.vector_store %arg8[%swap3A_272], %mul3A_271 {strides = array<i32>} : memref<10000xf32, #tpu.memory_space<vmem>>, vector<16xf32>,
    }
    %scan3A_118 = arith.constant 125 : i32
    "tpu.region"() ({
      %run_scoped3A_119 = tpu.sem_alloc : memref<!tpu.dma_semaphore, #tpu.memory_space<semaphore_mem>>
      %dma_start3A = tpu.memref_slice %arg3[%mul3A_104] : memref<320000xf32, #tpu.memory_space<hbm>> -> memref<10000xf32, #tpu.memory_space<hbm>>
      %dma_start3A_120 = tpu.memref_slice %arg3[%mul3A_104] : memref<320000xf32, #tpu.memory_space<hbm>> -> memref<10000xf32, #tpu.memory_space<hbm>>
      tpu.enqueue_dma source(%arg8 : memref<10000xf32, #tpu.memory_space<vmem>>) target(%dma_start3A_120 : memref<10000xf32, #tpu.memory_space<hbm>>) target_semaphore(%run_scoped3A_119 : memref<!tpu.dma_semaphore, #tpu.memory_space<semaphore_mem>>)
      %dma_wait3A = tpu.memref_slice %arg3[%mul3A_104] : memref<320000xf32, #tpu.memory_space<hbm>> -> memref<10000xf32, #tpu.memory_space<hbm>>
      %dma_wait3A_121 = tpu.memref_slice %arg3[%mul3A_104] : memref<320000xf32, #tpu.memory_space<hbm>> -> memref<10000xf32, #tpu.memory_space<hbm>>
      tpu.wait_dma2 semaphore(%run_scoped3A_119 : memref<!tpu.dma_semaphore, #tpu.memory_space<semaphore_mem>>) src(%arg8 : memref<10000xf32, #tpu.memory_space<vmem>>) dst(%dma_wait3A_121 : memref<10000xf32, #tpu.memory_space<hbm>>)
      tpu.yield
    }) : () -> ()
    return
  }
}

module attributes {stable_mosaic.version = 14 : i64} {
  func.func @_copy_body(%arg0: i32, %arg1: memref<16000x128xf32, #tpu.memory_space<vmem>>, %arg2: memref<16000x128xf32, #tpu.memory_space<vmem>>) attributes {dimension_semantics = [#tpu.dimension_semantics<arbitrary>], iteration_bounds = array<i64: 20>, scalar_prefetch = 0 : i64, scratch_operands = 0 : i64, tpu.core_type = #tpu.core_type<tc>, window_params = [{transform_indices = @transform_0, window_bounds = array<i64: 16000, 128>}, {transform_indices = @transform_1, window_bounds = array<i64: 16000, 128>}]} {
    %get3A = arith.constant 0 : index
    %get3A_0 = arith.constant 0 : index
    %get3A_1 = vector.load %arg1[%get3A, %get3A_0] : memref<16000x128xf32, #tpu.memory_space<vmem>>, vector<16000x128xf32>
    %swap3A = arith.constant 0 : index
    %swap3A_2 = arith.constant 0 : index
    %swap3A_3 = vector.load %arg2[%swap3A, %swap3A_2] : memref<16000x128xf32, #tpu.memory_space<vmem>>, vector<16000x128xf32>
    tpu.vector_store %arg2[%swap3A, %swap3A_2], %get3A_1 {strides = array<i32>} : memref<16000x128xf32, #tpu.memory_space<vmem>>, vector<16000x128xf32>,
    return
  }
  func.func @transform_0(%arg0: i32) -> (i32, i32) {
    %c0_i32 = arith.constant 0 : i32
    %c0_i32_0 = arith.constant 0 : i32
    return %arg0, %c0_i32 : i32, i32
  }
  func.func @transform_1(%arg0: i32) -> (i32, i32) {
    %c0_i32 = arith.constant 0 : i32
    %c0_i32_0 = arith.constant 0 : i32
    return %arg0, %c0_i32 : i32, i32
  }
}

</mosaic_0001>

<sc_bundles>
// kernel: kernel.4.cloned.1.call-start
scs
__scs_entry_jumppad:
0x0: {  	(pc) =	sbr.rel $0x88, $3  }
0x1: {  	(tag) =	ssettag $0x0;
	lr =	simm.s32 $0x1  }
0x2: {  	[smem:$0x3F9F] =	sst lr;
	_ =	strace $0xD0000000  }
0x3: {  	_ = 	snop  }
0x4: {  	_ = 	snop  }
0x5: {  	_ = 	snop  }
0x6: {  	_ = 	snop  }
0x7: {  	_ = 	snop  }
__scs_overlays_trampoline_lowered:
0x8: {  	[smem:$0x3FAE] =	sst s0  }
0x9: {  	[smem:$0x3FAF] =	sst s1  }
0xa: {  	[smem:$0x3FB0] =	sst s2  }
0xb: {  	[smem:$0x3FB1] =	sst s3  }
0xc: {  	[smem:$0x3FB2] =	sst s4  }
0xd: {  	[smem:$0x3FB3] =	sst s5  }
0xe: {  	[smem:$0x3FB4] =	sst s6  }
0xf: {  	[smem:$0x3FB5] =	sst s7  }
0x10: {  	[smem:$0x3FB6] =	sst s8  }
0x11: {  	[smem:$0x3FB7] =	sst s9;
	s0 =	simm.s32 @!p0 $0x0  }
0x12: {  	s1 =	sld [smem:$0x3F9D];
	s0 =	simm.s32 @p0 $0x1  }
0x13: {  	[smem:$0x3FB8] =	sst s0;
	s0 =	simm.s32 @!p1 $0x0  }
0x14: {  	s2 =	sld [smem:$0x3F9C];
	s0 =	simm.s32 @p1 $0x1  }
0x15: {  	[smem:$0x3FB9] =	sst s0;
	s0 =	simm.s32 @!p2 $0x0  }
0x16: {  	s3 =	sld [smem:$0x3FDB];
	s0 =	simm.s32 @p2 $0x1  }
0x17: {  	s4 =	simm.s32 $0x1BF5;
	[smem:$0x3FBB] =	sst s0  }
0x18: {  	s0 =	sld [smem:$0x3F9E];
	_ =	swait.ge [sflag:s4], $0x0  }
0x19: {  	s7 =	sld [smem:$0x3F9F]  }
0x1a: {  	s8 =	sadd.s32 $0xFFFFE003, lr  }
0x1b: {  	s9 =	sadd.s32 $0xFFFFFEF7, lr;
	s5 =	simm.s32 $0xFFFFFFFF;
	p2 =	slt.u32 s8, $0xFFFFF086  }
0x1c: {  	p1 =	slt.u32 s9, $0xF7A;
	s5 =	simm.s32 @!p2 $0x0  }
0x1d: {  	s5 =	simm.s32 @p1 $0x1;
	p0 =	seq.s32 s7, s2  }
0x1e: {  	s7 =	smul.u32 @!p0 $0xF7A, s2;
	p2 =	seq.s32 @!p0 s5, $0x0  }
0x1f: {  	s9 =	smul.u32 $0xF7A, s1;
	s8 =	simm.s32 @!p0 $0x1BF5;
	p2 =	por !p2, p0  }
0x20: {  	[sflag:s8] =	ssyncset.s32 @!p0 $0xFFFFF086;
	s6 =	sadd.s32 @!p0 s3, s7;
	s7 =	simm.s32 @!p0 $0x108  }
0x21: {  	s3 =	sadd.s32 s3, s9;
	s6 =	sadd.s32 @!p0 $0x88, s6;
	s7 =	simm.s32 @p2 $0x1082  }
0x22: {  	[simem:s7], [sflag:s8] =	dma.local @!p0 [hbm:s6], $0xF7A  }
0x23: {  	s9 =	sor.u32 $0xD0000000, s2;
	s6 =	simm.s32 $0x108;
	_ =	swait.ge @!p0 [sflag:s8], $0x0  }
0x24: {  	s3 =	sadd.s32 $0x88, s3;
	s6 =	simm.s32 @!p1 $0x1082;
	[sflag:s4] =	ssyncset.s32 $0xFFFFF086  }
0x25: {  	[simem:s6], [sflag:s4] =	dma.local [hbm:s3], $0xF7A  }
0x26: {  	[smem:$0x3F9F] =	sst s1;
	(tag) =	ssettag s2;
	_ =	strace s9  }
0x27: {  	s1 =	sld [smem:$0x3FAF]  }
0x28: {  	s2 =	sld [smem:$0x3FB0]  }
0x29: {  	s4 =	sld [smem:$0x3FB2]  }
0x2a: {  	p0 =	seq.s32 s5, $0x0;
	s5 =	sld [smem:$0x3FB3]  }
0x2b: {  	s6 =	sld [smem:$0x3FB4]  }
0x2c: {  	s7 =	sld [smem:$0x3FB5]  }
0x2d: {  	s3 =	simm.s32 $0x108;
	s8 =	sld [smem:$0x3FB6]  }
0x2e: {  	s3 =	simm.s32 @!p0 $0x1082;
	s9 =	sld [smem:$0x3FB7]  }
0x2f: {  	lr =	sadd.s32 s0, s3;
	s0 =	sld [smem:$0x3FAE]  }
0x30: {  	s3 =	sld [smem:$0x3FB1]  }
0x31: {  	[smem:$0x3FBA] =	sst s10  }
0x32: {  	s10 =	sld [smem:$0x3FB8];
	_ =	sdelay $0x3  }
0x33: {  	p0 =	seq.s32 s10, $0x1;
	s10 =	sld [smem:$0x3FBA];
	_ =	sdelay $0x3  }
0x34: {  	[smem:$0x3FBA] =	sst s10  }
0x35: {  	s10 =	sld [smem:$0x3FB9];
	_ =	sdelay $0x3  }
0x36: {  	p1 =	seq.s32 s10, $0x1;
	s10 =	sld [smem:$0x3FBA];
	_ =	sdelay $0x3  }
0x37: {  	[smem:$0x3FBA] =	sst s10  }
0x38: {  	s10 =	sld [smem:$0x3FBB]  }
0x39: {  	_ = 	snop;
	(pc) =	sbr.ind lr, $3  }
0x3a: {  	_ = 	snop  }
0x3b: {  	_ = 	snop  }
0x3c: {  	p2 =	seq.s32 s10, $0x1;
	s10 =	sld [smem:$0x3FBA]  }
0x3d: {  	_ =	shalt  }
0x3e: {  	_ =	shalt  }
0x3f: {  	_ =	shalt  }
0x40: {  	_ =	shalt  }
0x41: {  	_ =	shalt  }
0x42: {  	_ =	shalt  }
0x43: {  	_ =	shalt  }
0x44: {  	_ =	shalt  }
0x45: {  	_ =	shalt  }
0x46: {  	_ =	shalt  }
0x47: {  	_ =	shalt  }
0x48: {  	_ =	shalt  }
0x49: {  	_ =	shalt  }
0x4a: {  	_ =	shalt  }
0x4b: {  	_ =	shalt  }
0x4c: {  	_ =	shalt  }
0x4d: {  	_ =	shalt  }
0x4e: {  	_ =	shalt  }
0x4f: {  	_ =	shalt  }
0x50: {  	_ =	shalt  }
0x51: {  	_ =	shalt  }
0x52: {  	_ =	shalt  }
0x53: {  	_ =	shalt  }
0x54: {  	_ =	shalt  }
0x55: {  	_ =	shalt  }
0x56: {  	_ =	shalt  }
0x57: {  	_ =	shalt  }
0x58: {  	_ =	shalt  }
0x59: {  	_ =	shalt  }
0x5a: {  	_ =	shalt  }
0x5b: {  	_ =	shalt  }
0x5c: {  	_ =	shalt  }
0x5d: {  	_ =	shalt  }
0x5e: {  	_ =	shalt  }
0x5f: {  	_ =	shalt  }
0x60: {  	_ =	shalt  }
0x61: {  	_ =	shalt  }
0x62: {  	_ =	shalt  }
0x63: {  	_ =	shalt  }
0x64: {  	_ =	shalt  }
0x65: {  	_ =	shalt  }
0x66: {  	_ =	shalt  }
0x67: {  	_ =	shalt  }
0x68: {  	_ =	shalt  }
0x69: {  	_ =	shalt  }
0x6a: {  	_ =	shalt  }
0x6b: {  	_ =	shalt  }
0x6c: {  	_ =	shalt  }
0x6d: {  	_ =	shalt  }
0x6e: {  	_ =	shalt  }
0x6f: {  	_ =	shalt  }
0x70: {  	_ =	shalt  }
0x71: {  	_ =	shalt  }
0x72: {  	_ =	shalt  }
0x73: {  	_ =	shalt  }
0x74: {  	_ =	shalt  }
0x75: {  	_ =	shalt  }
0x76: {  	_ =	shalt  }
0x77: {  	_ =	shalt  }
0x78: {  	_ =	shalt  }
0x79: {  	_ =	shalt  }
0x7a: {  	_ =	shalt  }
0x7b: {  	_ =	shalt  }
0x7c: {  	_ =	shalt  }
0x7d: {  	_ =	shalt  }
0x7e: {  	_ =	shalt  }
0x7f: {  	_ =	shalt  }
0x80: {  	_ =	shalt  }
0x81: {  	_ =	shalt  }
0x82: {  	_ =	shalt  }
0x83: {  	_ =	shalt  }
0x84: {  	_ =	shalt  }
0x85: {  	_ =	shalt  }
0x86: {  	_ =	shalt  }
0x87: {  	_ =	shalt  }
.Lfunc_end0:
.L_simem_size_0:
called_computation_lowered:
.L_overlay_start_0:
0x88: {  	s2 =	sld [smem:$0x3FD9]  }
0x89: {  	s3 =	sld [smem:$0x3FFE];
	_ =	sdelay $0x1  }
0x8a: {  	s1 =	srdreg.scid  }
0x8b: {  	s0 =	sand.u32 $0x1, s1  }
0x8c: {  	s14 =	sshll.u32 s0, $0xA;
	s2 =	sadd.s32 s3, s2  }
0x8d: {  	s2 =	sadd.s32 s2, s14  }
0x8e: {  	[smem:$0x3FC6] =	sst s2  }
0x8f: {  	_ = 	snop  }
0x90: {  	s2 =	sld [smem:$0x3FD0];
	_ =	sdelay $0x2  }
0x91: {  	s15 =	simm.s32 $0xA;
	s4 =	simm.s32 $0x10  }
0x92: {  	[smem:s4], [sflag:s15] =	dma.local [hbm:s2], $0x1  }
0x93: {  	_ =	swait.eq [sflag:s15], $0x1  }
0x94: {  	[sflag:s15] =	ssyncset.done $0x0  }
0x95: {  	[sflag:s15] =	ssyncadd.s32 $0xFFFFFFFF  }
0x96: {  	s16 =	sld [smem:$0x11];
	(tm) =	ssettm $0x1  }
0x97: {  	s17 =	sld [smem:$0x3FFB];
	_ =	sdelay $0x3  }
0x98: {  	_ =	strace s17  }
0x99: {  	s3 =	sld [smem:$0x3FFC];
	_ =	sdelay $0x3  }
0x9a: {  	_ =	strace s3  }
0x9b: {  	s3 =	sld [smem:$0x3FFD];
	_ =	sdelay $0x3  }
0x9c: {  	_ =	strace s3  }
0x9d: {  	_ =	strace $0x8FFFFFFF  }
0x9e: {  	s18 =	sld [smem:$0x3FDB];
	_ =	sdelay $0x1  }
0x9f: {  	s19 =	simm.s32 $_scs_section_size  }
0xa0: {  	s5 =	simm.s32 $_size__tile_overlayer_lowered;
	s6 =	simm.s32 $_tile_overlayer_lowered  }
0xa1: {  	s22 =	simm.s32 $0x1BFF;
	s21 =	sshll.u32 s6, $0x1;
	s3 =	sadd.s32 s19, s18  }
0xa2: {  	s7 =	simm.s32 $0x0;
	s20 =	sshll.u32 s5, $0x1;
	s5 =	sadd.s32 s21, s3  }
0xa3: {  	[timem:s7], [sflag:s22] =	dma.local [hbm:s5], s20  }
0xa4: {  	_ =	swait.ge [sflag:s22], s20  }
0xa5: {  	s4 =	ssub.s32 $0x0, s20;
	[sflag:s22] =	ssyncset.done $0x0  }
0xa6: {  	[sflag:s22] =	ssyncadd.s32 s4;
	_ =	sdelay $0x1  }
0xa7: {  	s23 =	simm.s32 $0x1B8B  }
0xa8: {  	_ =	swait.ge [sflag:s23], $0x1  }
0xa9: {  	[sflag:s23] =	ssyncset.done $0x0  }
0xaa: {  	s25 =	simm.s32 $0x1B8E;
	s24 =	sld [smem:$0x3FFE];
	[sflag:s23] =	ssyncadd.s32 $0xFFFFFFFF  }
0xab: {  	s26 =	simm.s32 $execute0_lowered;
	[smem:$0x3FD2] =	sst s25  }
0xac: {  	s5 =	sshll.u32 s26, $0x1;
	_ =	strace $0x80000046;
	[dreg:$0x1] =	wrdreg $0xFFFFFFFF  }
0xad: {  	s28 =	simm.s32 $_size_execute0_lowered;
	s3 =	sadd.s32 s3, s5;
	[dreg:$0x0] =	wrdreg $0x0  }
0xae: {  	s5 =	sshll.u32 s28, $0x1;
	[dreg:$0x2] =	wrdreg s3  }
0xaf: {  	[dreg:$0x3] =	wrdreg s5  }
0xb0: {  	[dreg:$0x4] =	wrdreg $0xC0  }
0xb1: {  	_ =	task [dreg:s7], $0x5FFFF  }
0xb2: {  	[dreg:$0x1] =	wrdreg $0xFFFFFFFF  }
0xb3: {  	[dreg:$0x0] =	wrdreg $0x60  }
0xb4: {  	[dreg:$0x2] =	wrdreg s24  }
0xb5: {  	[dreg:$0x3] =	wrdreg s16  }
0xb6: {  	[dreg:$0x4] =	wrdreg $0x115D00  }
0xb7: {  	[dreg:$0x5] =	wrdreg $0x13DD00  }
0xb8: {  	[dreg:$0x6] =	wrdreg $0x9  }
0xb9: {  	_ =	task.clear_ibuf [dreg:s7], $0x7FFFF;
	_ =	strace $0x90000046  }
0xba: {  	s29 =	simm.s32 $0x9;
	_ =	strace $0x80000048  }
0xbb: {  	_ =	swait.ge [sflag:s29], $0x1  }
0xbc: {  	[sflag:s29] =	ssyncadd.s32 $0xFFFFFFFF  }
0xbd: {  	_ =	strace $0x90000048  }
0xbe: {  	_ =	sfence  }
0xbf: {  	s30 =	sld [smem:$0x0];
	_ =	sdelay $0x2  }
0xc0: {  	s31 =	sshll.u32 s1, $0xD;
	s1 =	sshrl.u32 s1, $0x2  }
0xc1: {  	s3 =	sand.u32 $0x4000, s31;
	s1 =	sadd.s32 s1, s30  }
0xc2: {  	s0 =	sor.u32 s3, s0;
	s1 =	sshll.u32 s1, $0x11  }
0xc3: {  	s0 =	sor.u32 s1, s0  }
0xc4: {  	s0 =	sadd.s32 $0x8F2B, s0  }
0xc5: {  	[sflag:s0] =	ssyncadd.remote.s32 $0x1  }
0xc6: {  	_ =	sfence.sel $0xFFFF  }
0xc7: {  	[dreg:$0x0] =	wrdreg $0xFFFFFFFF;
	(pc) =	sbr.abs _section_cstart, $3  }
0xc8: {  	[dreg:$0x1] =	wrdreg $0xFFFFFFFF  }
0xc9: {  	_ =	task.clear_ibuf [dreg:s7], $0x2FFFF;
	_ =	strace $0x9FFFFFFF  }
0xca: {  	(tm) =	ssettm $0x7FFFFFFF  }
0xcb: {  	_ =	shalt  }
tec
execute0_lowered:
.L_overlay_start_1:
0x0: {  	(tag) =	ssettag $0x1  }
0x1: {  	s0 =	rddreg [dreg:$0x0]  }
0x2: {  	s1 =	rddreg [dreg:$0x1]  }
0x3: {  	s2 =	rddreg [dreg:$0x2]  }
0x4: {  	s26 =	rddreg [dreg:$0x3];
	s3 =	simm.s32 $0x0;
	s10 =	stileid.u32  }
0x5: {  	s21 =	srdreg.scid;
	s28 =	simm.s32 $0x1;
	s29 =	simm.s32 $0x9C40  }
0x6: {  	s30 =	simm.s32 $0xEEC0;
	s31 =	simm.s32 $0x0;
	[smem:$0x7FF] =	sst s3  }
0x7: {  	s4 =	sshrl.u32 s10, $0x3;
	s3 =	sand.u32 $0x1, s21;
	s8 =	smul.u32 $0xA000, s10  }
0x8: {  	s5 =	sand.u32 $0x7, s10;
	s0 =	sadd.s32 $0x400, s0;
	s24 =	smul.u32 $0x280, s10  }
0x9: {  	s9 =	sshll.u32 s10, $0x1;
	s4 =	smul.u32 $0x4E200, s4;
	_ =	strace $0x80000047  }
0xa: {  	s6 =	ssub.s32 $0x2, s3;
	s5 =	smul.u32 $0x9C40, s5;
	s3 =	sor.u32 s3, s9  }
0xb: {  	s7 =	sshrl.u32 s6, $0x1;
	s22 =	sshrl.u32 s8, $0x2;
	s23 =	smul.u32 $0x2710, s3  }
0xc: {  	s4 =	sadd.s32 s5, s4;
	s25 =	ssub.s32 s6, s7;
	s5 =	sadd.s32 s24, s2  }
0xd: {  	s6 =	sadd.s32 s22, s2;
	s24 =	sadd.s32 s24, s26;
	s4 =	sshrl.u32 s4, $0x3  }
0xe: {  	s7 =	sadd.s32 $0x2800, s5;
	s8 =	sadd.s32 $0x5000, s5;
	s9 =	sadd.s32 $0x7800, s5  }
0xf: {  	s10 =	sadd.s32 $0xA000, s5;
	s11 =	sadd.s32 $0xC800, s5;
	s12 =	sadd.s32 $0xF000, s5  }
0x10: {  	s13 =	sadd.s32 $0x11800, s5;
	s14 =	sadd.s32 $0x14000, s5;
	s15 =	sadd.s32 $0x16800, s5  }
0x11: {  	s16 =	sadd.s32 $0x19000, s5;
	s17 =	sadd.s32 $0x1B800, s5;
	s18 =	sadd.s32 $0x1E000, s5  }
0x12: {  	s2 =	sshrl.u32 s23, $0x3;
	s19 =	sadd.s32 $0x20800, s5;
	s20 =	sadd.s32 $0x23000, s5  }
0x13: {  	s23 =	sadd.s32 $0x25800, s5;
	s25 =	smax.u32 s25, $0x1;
	s21 =	sadd.s32 s0, s2  }
0x14: {  	v0 =	vimm.s32 $0x0;
	v1 =	vimm.s32 $0x1;
	s4 =	sadd.s32 s0, s4;
	s22 =	sadd.s32 s1, s2;
	s26 =	sadd.s32 $0x9C40, s21  }
.LBB2_1:
0x15: {  	s0 =	simm.s32 $0x0;
	s1 =	simm.s32 $0x200  }
.LBB2_2:
0x16: {  	p0 =	sne.s32 s1, $0x9E00;
	[tilespmem:s0+$0x9CB0] =	vst v0  }
0x17: {  	[tilespmem:s0+$0x9C40] =	vst v0  }
0x18: {  	[tilespmem:s0+$0x9C50] =	vst v0  }
.Ltmp0:
0x19: {  	[tilespmem:s0+$0x9C60] =	vst v0;
	(pc) =	sbr.rel @p0 .LBB2_2-.Ltmp0, $4  }
0x1a: {  	[tilespmem:s0+$0x9C70] =	vst v0  }
0x1b: {  	[tilespmem:s0+$0x9C80] =	vst v0  }
0x1c: {  	[tilespmem:s0+$0x9C90] =	vst v0  }
0x1d: {  	[tilespmem:s0+$0x9CA0] =	vst v0;
	s0 =	sshra.s32 s1, $0x2;
	s1 =	sadd.s32 $0x200, s1  }
0x1e: {  	[tilespmem:s0+$0x9CB0] =	vst v0  }
0x1f: {  	[tilespmem:s0+$0x9C40] =	vst v0  }
0x20: {  	[tilespmem:s0+$0x9C50] =	vst v0  }
0x21: {  	[tilespmem:s0+$0x9C60] =	vst v0  }
0x22: {  	[tilespmem:s0+$0x9C70] =	vst v0  }
0x23: {  	[tilespmem:s0+$0x9C80] =	vst v0  }
0x24: {  	[tilespmem:s0+$0x9C90] =	vst v0  }
0x25: {  	[tilespmem:s0+$0x9CA0] =	vst v0;
	s0 =	simm.s32 $0x0  }
0x26: {  	[tilespmem:s0], [sflag:$0x1] =	stream.linear.gather [hbm4b:s4+s0], $0x9C40, $0x38;
	[tilespmem:$0x14050] =	vst v63  }
0x27: {  	_ =	swait.ge [sflag:s28], $0x9C40  }
0x28: {  	[sflag:s28] =	ssyncset.done $0x0  }
0x29: {  	[sflag:s28] =	ssyncadd.s32 $0xFFFF63C0  }
.LBB2_4:
0x2a: {  	s1 =	sshra.s32 s0, $0x2  }
0x2b: {  	v2 =	vld [tilespmem:s1+$0x0];
	_ =	sdelay $0x7  }
0x2c: {  	[tilespmem:v2+s29+$0x0] =	vst.idx.add.s32.msk $0xffff, v1  }
0x2d: {  	v2 =	vld [tilespmem:s1+$0x10];
	_ =	sdelay $0x7  }
0x2e: {  	[tilespmem:v2+s29+$0x0] =	vst.idx.add.s32.msk $0xffff, v1  }
0x2f: {  	v2 =	vld [tilespmem:s1+$0x20];
	_ =	sdelay $0x7  }
0x30: {  	[tilespmem:v2+s29+$0x0] =	vst.idx.add.s32.msk $0xffff, v1  }
0x31: {  	v2 =	vld [tilespmem:s1+$0x30];
	_ =	sdelay $0x2  }
0x32: {  	p0 =	sne.s32 s0, $0x27000  }
.Ltmp1:
0x33: {  	_ = 	snop;
	(pc) =	sbr.rel @p0 .LBB2_4-.Ltmp1, $2  }
0x34: {  	_ =	sdelay $0x2  }
0x35: {  	s0 =	sadd.s32 $0x100, s0;
	[tilespmem:v2+s29+$0x0] =	vst.idx.add.s32.msk $0xffff, v1  }
0x36: {  	[spmem:s6] =	stream.linear.scatter [tilespmem:s29], [sflag:$0x1], $0x2800, $0x38;
	[tilespmem:$0x14050] =	vst v63  }
0x37: {  	_ =	swait.ge [sflag:s28], $0x2800  }
0x38: {  	[sflag:s28] =	ssyncset.done $0x0  }
0x39: {  	[sflag:s28] =	ssyncadd.s32 $0xFFFFD800  }
0x3a: {  	s0 =	simm.s32 $0xC440;
	[bflag:$0x0] =	sbarrier.arrive $0xFFFF  }
0x3b: {  	[tilespmem:s0], [sflag:$0x1] =	stream.linear.gather [spmem:s5], $0x280, $0x38;
	[tilespmem:$0x14050] =	vst v63  }
0x3c: {  	_ =	swait.ge [sflag:s28], $0x280  }
0x3d: {  	[sflag:s28] =	ssyncset.done $0x0  }
0x3e: {  	s1 =	simm.s32 $0xC6C0;
	[sflag:s28] =	ssyncadd.s32 $0xFFFFFD80  }
0x3f: {  	[tilespmem:s1], [sflag:$0x1] =	stream.linear.gather [spmem:s7], $0x280, $0x38;
	[tilespmem:$0x14050] =	vst v63  }
0x40: {  	_ =	swait.ge [sflag:s28], $0x280  }
0x41: {  	[sflag:s28] =	ssyncset.done $0x0  }
0x42: {  	s2 =	simm.s32 $0xC940;
	[sflag:s28] =	ssyncadd.s32 $0xFFFFFD80  }
0x43: {  	[tilespmem:s2], [sflag:$0x1] =	stream.linear.gather [spmem:s8], $0x280, $0x38;
	[tilespmem:$0x14050] =	vst v63  }
0x44: {  	_ =	swait.ge [sflag:s28], $0x280  }
0x45: {  	[sflag:s28] =	ssyncset.done $0x0  }
0x46: {  	s3 =	simm.s32 $0xCBC0;
	[sflag:s28] =	ssyncadd.s32 $0xFFFFFD80  }
0x47: {  	[tilespmem:s3], [sflag:$0x1] =	stream.linear.gather [spmem:s9], $0x280, $0x38;
	[tilespmem:$0x14050] =	vst v63  }
0x48: {  	_ =	swait.ge [sflag:s28], $0x280  }
0x49: {  	[sflag:s28] =	ssyncset.done $0x0  }
0x4a: {  	s1 =	simm.s32 $0xCE40;
	[sflag:s28] =	ssyncadd.s32 $0xFFFFFD80  }
0x4b: {  	[tilespmem:s1], [sflag:$0x1] =	stream.linear.gather [spmem:s10], $0x280, $0x38;
	[tilespmem:$0x14050] =	vst v63  }
0x4c: {  	_ =	swait.ge [sflag:s28], $0x280  }
0x4d: {  	[sflag:s28] =	ssyncset.done $0x0  }
0x4e: {  	s2 =	simm.s32 $0xD0C0;
	[sflag:s28] =	ssyncadd.s32 $0xFFFFFD80  }
0x4f: {  	[tilespmem:s2], [sflag:$0x1] =	stream.linear.gather [spmem:s11], $0x280, $0x38;
	[tilespmem:$0x14050] =	vst v63  }
0x50: {  	_ =	swait.ge [sflag:s28], $0x280  }
0x51: {  	[sflag:s28] =	ssyncset.done $0x0  }
0x52: {  	s3 =	simm.s32 $0xD340;
	[sflag:s28] =	ssyncadd.s32 $0xFFFFFD80  }
0x53: {  	[tilespmem:s3], [sflag:$0x1] =	stream.linear.gather [spmem:s12], $0x280, $0x38;
	[tilespmem:$0x14050] =	vst v63  }
0x54: {  	_ =	swait.ge [sflag:s28], $0x280  }
0x55: {  	[sflag:s28] =	ssyncset.done $0x0  }
0x56: {  	s1 =	simm.s32 $0xD5C0;
	[sflag:s28] =	ssyncadd.s32 $0xFFFFFD80  }
0x57: {  	[tilespmem:s1], [sflag:$0x1] =	stream.linear.gather [spmem:s13], $0x280, $0x38;
	[tilespmem:$0x14050] =	vst v63  }
0x58: {  	_ =	swait.ge [sflag:s28], $0x280  }
0x59: {  	[sflag:s28] =	ssyncset.done $0x0  }
0x5a: {  	s2 =	simm.s32 $0xD840;
	[sflag:s28] =	ssyncadd.s32 $0xFFFFFD80  }
0x5b: {  	[tilespmem:s2], [sflag:$0x1] =	stream.linear.gather [spmem:s14], $0x280, $0x38;
	[tilespmem:$0x14050] =	vst v63  }
0x5c: {  	_ =	swait.ge [sflag:s28], $0x280  }
0x5d: {  	[sflag:s28] =	ssyncset.done $0x0  }
0x5e: {  	s3 =	simm.s32 $0xDAC0;
	[sflag:s28] =	ssyncadd.s32 $0xFFFFFD80  }
0x5f: {  	[tilespmem:s3], [sflag:$0x1] =	stream.linear.gather [spmem:s15], $0x280, $0x38;
	[tilespmem:$0x14050] =	vst v63  }
0x60: {  	_ =	swait.ge [sflag:s28], $0x280  }
0x61: {  	[sflag:s28] =	ssyncset.done $0x0  }
0x62: {  	s1 =	simm.s32 $0xDD40;
	[sflag:s28] =	ssyncadd.s32 $0xFFFFFD80  }
0x63: {  	[tilespmem:s1], [sflag:$0x1] =	stream.linear.gather [spmem:s16], $0x280, $0x38;
	[tilespmem:$0x14050] =	vst v63  }
0x64: {  	_ =	swait.ge [sflag:s28], $0x280  }
0x65: {  	[sflag:s28] =	ssyncset.done $0x0  }
0x66: {  	s2 =	simm.s32 $0xDFC0;
	[sflag:s28] =	ssyncadd.s32 $0xFFFFFD80  }
0x67: {  	[tilespmem:s2], [sflag:$0x1] =	stream.linear.gather [spmem:s17], $0x280, $0x38;
	[tilespmem:$0x14050] =	vst v63  }
0x68: {  	_ =	swait.ge [sflag:s28], $0x280  }
0x69: {  	[sflag:s28] =	ssyncset.done $0x0  }
0x6a: {  	s3 =	simm.s32 $0xE240;
	[sflag:s28] =	ssyncadd.s32 $0xFFFFFD80  }
0x6b: {  	[tilespmem:s3], [sflag:$0x1] =	stream.linear.gather [spmem:s18], $0x280, $0x38;
	[tilespmem:$0x14050] =	vst v63  }
0x6c: {  	_ =	swait.ge [sflag:s28], $0x280  }
0x6d: {  	[sflag:s28] =	ssyncset.done $0x0  }
0x6e: {  	s1 =	simm.s32 $0xE4C0;
	[sflag:s28] =	ssyncadd.s32 $0xFFFFFD80  }
0x6f: {  	[tilespmem:s1], [sflag:$0x1] =	stream.linear.gather [spmem:s19], $0x280, $0x38;
	[tilespmem:$0x14050] =	vst v63  }
0x70: {  	_ =	swait.ge [sflag:s28], $0x280  }
0x71: {  	[sflag:s28] =	ssyncset.done $0x0  }
0x72: {  	s2 =	simm.s32 $0xE740;
	[sflag:s28] =	ssyncadd.s32 $0xFFFFFD80  }
0x73: {  	[tilespmem:s2], [sflag:$0x1] =	stream.linear.gather [spmem:s20], $0x280, $0x38;
	[tilespmem:$0x14050] =	vst v63  }
0x74: {  	_ =	swait.ge [sflag:s28], $0x280  }
0x75: {  	[sflag:s28] =	ssyncset.done $0x0  }
0x76: {  	s3 =	simm.s32 $0xE9C0;
	[sflag:s28] =	ssyncadd.s32 $0xFFFFFD80  }
0x77: {  	[tilespmem:s3], [sflag:$0x1] =	stream.linear.gather [spmem:s23], $0x280, $0x38;
	[tilespmem:$0x14050] =	vst v63  }
0x78: {  	_ =	swait.ge [sflag:s28], $0x280  }
0x79: {  	[sflag:s28] =	ssyncset.done $0x0  }
0x7a: {  	s0 =	simm.s32 $0x0;
	[sflag:s28] =	ssyncadd.s32 $0xFFFFFD80  }
0x7b: {  	v2 =	vld [tilespmem:s0+$0xC440]  }
0x7c: {  	v3 =	vld [tilespmem:s0+$0xC6C0]  }
0x7d: {  	v4 =	vld [tilespmem:s0+$0xC940]  }
0x7e: {  	v5 =	vld [tilespmem:s0+$0xCBC0]  }
0x7f: {  	v6 =	vld [tilespmem:s0+$0xCE40]  }
0x80: {  	v7 =	vld [tilespmem:s0+$0xD0C0]  }
0x81: {  	v2 =	vadd.s32 v2, v3;
	v3 =	vld [tilespmem:s0+$0xD340]  }
0x82: {  	v2 =	vadd.s32 v4, v2;
	v4 =	vld [tilespmem:s0+$0xD5C0]  }
0x83: {  	v2 =	vadd.s32 v5, v2;
	v5 =	vld [tilespmem:s0+$0xD840]  }
0x84: {  	v2 =	vadd.s32 v6, v2;
	v6 =	vld [tilespmem:s0+$0xDAC0]  }
0x85: {  	v2 =	vadd.s32 v7, v2;
	v7 =	vld [tilespmem:s0+$0xDD40]  }
0x86: {  	v8 =	vld [tilespmem:s0+$0xDFC0];
	v2 =	vadd.s32 v3, v2  }
0x87: {  	v3 =	vld [tilespmem:s0+$0xE240];
	v2 =	vadd.s32 v4, v2  }
0x88: {  	v4 =	vld [tilespmem:s0+$0xE4C0];
	v2 =	vadd.s32 v5, v2  }
0x89: {  	v5 =	vld [tilespmem:s0+$0xE740];
	v2 =	vadd.s32 v6, v2  }
0x8a: {  	s1 =	simm.s32 $0x10;
	v6 =	vld [tilespmem:s0+$0xE9C0];
	v7 =	vadd.s32 v7, v2  }
0x8b: {  	s2 =	simm.s32 $0x80;
	v2 =	vld [tilespmem:s1+$0xC440];
	v7 =	vadd.s32 v8, v7  }
.LBB2_6:
0x8c: {  	p0 =	sne.s32 s2, $0x9C0;
	v8 =	vld [tilespmem:s1+$0xC6C0];
	v3 =	vadd.s32 v3, v7  }
0x8d: {  	v7 =	vld [tilespmem:s1+$0xC940];
	v3 =	vadd.s32 v4, v3  }
0x8e: {  	v4 =	vld [tilespmem:s1+$0xCBC0];
	v3 =	vadd.s32 v5, v3  }
0x8f: {  	v5 =	vld [tilespmem:s1+$0xCE40];
	v3 =	vadd.s32 v6, v3  }
0x90: {  	v6 =	vld [tilespmem:s1+$0xD0C0];
	[tilespmem:s0+$0xEC40] =	vst v3;
	s0 =	smov.u32 s1  }
0x91: {  	v2 =	vadd.s32 v2, v8;
	v3 =	vld [tilespmem:s0+$0xD340]  }
0x92: {  	v2 =	vadd.s32 v7, v2;
	v7 =	vld [tilespmem:s0+$0xD5C0]  }
0x93: {  	v2 =	vadd.s32 v4, v2;
	v4 =	vld [tilespmem:s0+$0xD840]  }
0x94: {  	v2 =	vadd.s32 v5, v2;
	v5 =	vld [tilespmem:s0+$0xDAC0]  }
0x95: {  	v2 =	vadd.s32 v6, v2;
	v6 =	vld [tilespmem:s0+$0xDD40]  }
0x96: {  	v2 =	vadd.s32 v3, v2;
	v8 =	vld [tilespmem:s0+$0xDFC0]  }
.Ltmp2:
0x97: {  	v2 =	vadd.s32 v7, v2;
	v3 =	vld [tilespmem:s0+$0xE240];
	(pc) =	sbr.rel @p0 .LBB2_6-.Ltmp2, $4  }
0x98: {  	v2 =	vadd.s32 v4, v2;
	v4 =	vld [tilespmem:s0+$0xE4C0]  }
0x99: {  	v2 =	vadd.s32 v5, v2;
	v5 =	vld [tilespmem:s0+$0xE740]  }
0x9a: {  	s1 =	sshra.s32 s2, $0x2;
	v7 =	vadd.s32 v6, v2;
	v6 =	vld [tilespmem:s0+$0xE9C0]  }
0x9b: {  	s2 =	sadd.s32 $0x40, s2;
	v2 =	vld [tilespmem:s1+$0xC440];
	v7 =	vadd.s32 v8, v7  }
0x9c: {  	v8 =	vld [tilespmem:s1+$0xC6C0];
	v3 =	vadd.s32 v3, v7  }
0x9d: {  	v7 =	vld [tilespmem:s1+$0xC940];
	v3 =	vadd.s32 v4, v3  }
0x9e: {  	v4 =	vld [tilespmem:s1+$0xCBC0];
	v3 =	vadd.s32 v5, v3  }
0x9f: {  	v5 =	vld [tilespmem:s1+$0xCE40];
	v3 =	vadd.s32 v6, v3  }
0xa0: {  	v6 =	vld [tilespmem:s1+$0xD0C0];
	[tilespmem:s0+$0xEC40] =	vst v3  }
0xa1: {  	v2 =	vadd.s32 v2, v8;
	v3 =	vld [tilespmem:s1+$0xD340]  }
0xa2: {  	v2 =	vadd.s32 v7, v2;
	v7 =	vld [tilespmem:s1+$0xD5C0]  }
0xa3: {  	v2 =	vadd.s32 v4, v2;
	v4 =	vld [tilespmem:s1+$0xD840]  }
0xa4: {  	v2 =	vadd.s32 v5, v2;
	v5 =	vld [tilespmem:s1+$0xDAC0]  }
0xa5: {  	v2 =	vadd.s32 v6, v2;
	v6 =	vld [tilespmem:s1+$0xDD40]  }
0xa6: {  	v2 =	vadd.s32 v3, v2;
	v3 =	vld [tilespmem:s1+$0xDFC0]  }
0xa7: {  	v2 =	vadd.s32 v7, v2;
	v7 =	vld [tilespmem:s1+$0xE240]  }
0xa8: {  	v2 =	vadd.s32 v4, v2;
	v4 =	vld [tilespmem:s1+$0xE4C0]  }
0xa9: {  	v2 =	vadd.s32 v5, v2;
	v5 =	vld [tilespmem:s1+$0xE740]  }
0xaa: {  	v2 =	vadd.s32 v6, v2;
	v6 =	vld [tilespmem:s1+$0xE9C0]  }
0xab: {  	v2 =	vadd.s32 v3, v2  }
0xac: {  	v2 =	vadd.s32 v7, v2  }
0xad: {  	v2 =	vadd.s32 v4, v2  }
0xae: {  	v2 =	vadd.s32 v5, v2  }
0xaf: {  	v2 =	vadd.s32 v6, v2  }
0xb0: {  	s3 =	simm.s32 $0xEC40;
	[tilespmem:s1+$0xEC40] =	vst v2  }
0xb1: {  	[spmem:s24] =	stream.linear.scatter [tilespmem:s3], [sflag:$0x1], $0x280, $0x38;
	[tilespmem:$0x14050] =	vst v63  }
0xb2: {  	_ =	swait.ge [sflag:s28], $0x280  }
0xb3: {  	[sflag:s28] =	ssyncset.done $0x0  }
0xb4: {  	[sflag:s28] =	ssyncadd.s32 $0xFFFFFD80  }
0xb5: {  	[bflag:$0x0] =	sbarrier.arrive $0xFFFF  }
0xb6: {  	s1 =	rddreg [dreg:$0x3]  }
0xb7: {  	[tilespmem:s29], [sflag:$0x1] =	stream.linear.gather [spmem:s1], $0x2800, $0x38;
	[tilespmem:$0x14050] =	vst v63  }
0xb8: {  	_ =	swait.ge [sflag:s28], $0x2800  }
0xb9: {  	[sflag:s28] =	ssyncset.done $0x0  }
0xba: {  	s2 =	simm.s32 $0x0;
	[sflag:s28] =	ssyncadd.s32 $0xFFFFD800  }
0xbb: {  	[tilespmem:s2], [sflag:$0x1] =	stream.linear.gather [hbm4b:s21+s2], $0x2710, $0x38;
	[tilespmem:$0x14050] =	vst v63  }
0xbc: {  	_ =	swait.ge [sflag:s28], $0x2710  }
0xbd: {  	[sflag:s28] =	ssyncset.done $0x0  }
0xbe: {  	s3 =	simm.s32 $0x2710;
	[sflag:s28] =	ssyncadd.s32 $0xFFFFD8F0  }
0xbf: {  	[tilespmem:s3], [sflag:$0x1] =	stream.linear.gather [hbm4b:s26+s2], $0x2710, $0x38;
	[tilespmem:$0x14050] =	vst v63  }
0xc0: {  	_ =	swait.ge [sflag:s28], $0x2710  }
0xc1: {  	[sflag:s28] =	ssyncset.done $0x0  }
0xc2: {  	s0 =	simm.s32 $0x0;
	[sflag:s28] =	ssyncadd.s32 $0xFFFFD8F0  }
0xc3: {  	v2 =	vld [tilespmem:s0+$0x0]  }
0xc4: {  	v3 =	vld [tilespmem:s0+$0x2710];
	_ =	sdelay $0x6  }
0xc5: {  	v2 =	vld.idx.msk [tilespmem:v2+s29+$0x0], $0xffff  }
0xc6: {  	v3 =	vld.idx.msk [tilespmem:v3+s29+$0x0], $0xffff;
	_ =	sdelay $0x4  }
0xc7: {  	v2 =	vadd.s32 v2, v3  }
0xc8: {  	v2 =	vcvt.s32.f32 v2;
	_ =	sdelay $0x1  }
0xc9: {  	v3 =	vshra.s32 v2, $0x1;
	v2 =	vmul.f32 $5.000000000e-01, v2  }
0xca: {  	v3 =	vsub.s32 $0x5F3759DF, v3  }
0xcb: {  	v4 =	vmul.f32 v3, v2;
	_ =	sdelay $0x1  }
0xcc: {  	v4 =	vmul.f32 v3, v4;
	_ =	sdelay $0x1  }
0xcd: {  	v4 =	vsub.f32 $1.500000000e+00, v4;
	_ =	sdelay $0x1  }
0xce: {  	v3 =	vmul.f32 v3, v4;
	_ =	sdelay $0x1  }
0xcf: {  	v2 =	vmul.f32 v3, v2  }
0xd0: {  	v4 =	vld [tilespmem:s0+$0x10]  }
0xd1: {  	v5 =	vld [tilespmem:s0+$0x2720];
	v2 =	vmul.f32 v2, v3;
	_ =	sdelay $0x1  }
0xd2: {  	v2 =	vsub.f32 $1.500000000e+00, v2;
	_ =	sdelay $0x1  }
0xd3: {  	v2 =	vmul.f32 v2, v3;
	_ =	sdelay $0x1  }
0xd4: {  	[tilespmem:s0+$0xEEC0] =	vst v2  }
0xd5: {  	v2 =	vld.idx.msk [tilespmem:v4+s29+$0x0], $0xffff  }
0xd6: {  	v3 =	vld.idx.msk [tilespmem:v5+s29+$0x0], $0xffff;
	_ =	sdelay $0x4  }
0xd7: {  	v2 =	vadd.s32 v2, v3  }
0xd8: {  	v2 =	vcvt.s32.f32 v2;
	_ =	sdelay $0x1  }
0xd9: {  	v3 =	vshra.s32 v2, $0x1;
	v2 =	vmul.f32 $5.000000000e-01, v2  }
0xda: {  	v3 =	vsub.s32 $0x5F3759DF, v3  }
0xdb: {  	v4 =	vmul.f32 v3, v2;
	_ =	sdelay $0x1  }
0xdc: {  	v4 =	vmul.f32 v3, v4;
	_ =	sdelay $0x1  }
0xdd: {  	v4 =	vsub.f32 $1.500000000e+00, v4;
	_ =	sdelay $0x1  }
0xde: {  	v3 =	vmul.f32 v3, v4;
	_ =	sdelay $0x1  }
0xdf: {  	v2 =	vmul.f32 v3, v2  }
0xe0: {  	v4 =	vld [tilespmem:s0+$0x20]  }
0xe1: {  	v5 =	vld [tilespmem:s0+$0x2730];
	v2 =	vmul.f32 v2, v3;
	_ =	sdelay $0x1  }
0xe2: {  	v2 =	vsub.f32 $1.500000000e+00, v2;
	_ =	sdelay $0x1  }
0xe3: {  	v2 =	vmul.f32 v2, v3;
	_ =	sdelay $0x1  }
0xe4: {  	[tilespmem:s0+$0xEED0] =	vst v2  }
0xe5: {  	v2 =	vld.idx.msk [tilespmem:v4+s29+$0x0], $0xffff  }
0xe6: {  	v3 =	vld.idx.msk [tilespmem:v5+s29+$0x0], $0xffff;
	_ =	sdelay $0x4  }
0xe7: {  	v2 =	vadd.s32 v2, v3  }
0xe8: {  	v2 =	vcvt.s32.f32 v2;
	_ =	sdelay $0x1  }
0xe9: {  	v3 =	vshra.s32 v2, $0x1;
	v2 =	vmul.f32 $5.000000000e-01, v2  }
0xea: {  	v3 =	vsub.s32 $0x5F3759DF, v3  }
0xeb: {  	v4 =	vmul.f32 v3, v2;
	_ =	sdelay $0x1  }
0xec: {  	v4 =	vmul.f32 v3, v4;
	_ =	sdelay $0x1  }
0xed: {  	v4 =	vsub.f32 $1.500000000e+00, v4;
	_ =	sdelay $0x1  }
0xee: {  	v3 =	vmul.f32 v3, v4;
	_ =	sdelay $0x1  }
0xef: {  	v2 =	vmul.f32 v3, v2  }
0xf0: {  	v4 =	vld [tilespmem:s0+$0x30]  }
0xf1: {  	v5 =	vld [tilespmem:s0+$0x2740];
	v2 =	vmul.f32 v2, v3;
	_ =	sdelay $0x1  }
0xf2: {  	v2 =	vsub.f32 $1.500000000e+00, v2;
	_ =	sdelay $0x1  }
0xf3: {  	v2 =	vmul.f32 v2, v3;
	_ =	sdelay $0x1  }
0xf4: {  	[tilespmem:s0+$0xEEE0] =	vst v2  }
0xf5: {  	v2 =	vld.idx.msk [tilespmem:v4+s29+$0x0], $0xffff  }
0xf6: {  	v3 =	vld.idx.msk [tilespmem:v5+s29+$0x0], $0xffff;
	_ =	sdelay $0x4  }
0xf7: {  	v2 =	vadd.s32 v2, v3  }
0xf8: {  	v2 =	vcvt.s32.f32 v2;
	_ =	sdelay $0x1  }
0xf9: {  	v3 =	vshra.s32 v2, $0x1;
	v2 =	vmul.f32 $5.000000000e-01, v2  }
0xfa: {  	v3 =	vsub.s32 $0x5F3759DF, v3  }
0xfb: {  	v4 =	vmul.f32 v3, v2;
	_ =	sdelay $0x1  }
0xfc: {  	v4 =	vmul.f32 v3, v4;
	_ =	sdelay $0x1  }
0xfd: {  	v4 =	vsub.f32 $1.500000000e+00, v4;
	_ =	sdelay $0x1  }
0xfe: {  	v3 =	vmul.f32 v3, v4;
	_ =	sdelay $0x1  }
0xff: {  	v2 =	vmul.f32 v3, v2  }
0x100: {  	v4 =	vld [tilespmem:s0+$0x40]  }
0x101: {  	v5 =	vld [tilespmem:s0+$0x2750];
	v2 =	vmul.f32 v2, v3;
	_ =	sdelay $0x1  }
0x102: {  	v2 =	vsub.f32 $1.500000000e+00, v2;
	_ =	sdelay $0x1  }
0x103: {  	v2 =	vmul.f32 v2, v3;
	_ =	sdelay $0x1  }
0x104: {  	[tilespmem:s0+$0xEEF0] =	vst v2  }
0x105: {  	v2 =	vld.idx.msk [tilespmem:v4+s29+$0x0], $0xffff  }
0x106: {  	v3 =	vld.idx.msk [tilespmem:v5+s29+$0x0], $0xffff;
	_ =	sdelay $0x4  }
0x107: {  	v2 =	vadd.s32 v2, v3  }
0x108: {  	v2 =	vcvt.s32.f32 v2;
	_ =	sdelay $0x1  }
0x109: {  	v3 =	vshra.s32 v2, $0x1;
	v4 =	vmul.f32 $5.000000000e-01, v2  }
0x10a: {  	v2 =	vsub.s32 $0x5F3759DF, v3  }
0x10b: {  	v3 =	vmul.f32 v2, v4;
	_ =	sdelay $0x1  }
0x10c: {  	v3 =	vmul.f32 v2, v3;
	_ =	sdelay $0x1  }
0x10d: {  	v3 =	vsub.f32 $1.500000000e+00, v3;
	_ =	sdelay $0x1  }
0x10e: {  	v2 =	vmul.f32 v2, v3;
	_ =	sdelay $0x1  }
0x10f: {  	s3 =	simm.s32 $0x50;
	v5 =	vmul.f32 v2, v4  }
0x110: {  	v3 =	vld [tilespmem:s3+$0x0]  }
0x111: {  	s1 =	simm.s32 $0x280;
	v4 =	vld [tilespmem:s3+$0x2710];
	v5 =	vmul.f32 v5, v2  }
.LBB2_8:
0x112: {  	p0 =	sne.s32 s1, $0x9B00;
	s2 =	smov.u32 s1;
	s1 =	sadd.s32 $0x140, s1  }
0x113: {  	v5 =	vsub.f32 $1.500000000e+00, v5;
	_ =	sdelay $0x1  }
0x114: {  	v2 =	vmul.f32 v5, v2;
	_ =	sdelay $0x1  }
0x115: {  	[tilespmem:s0+$0xEF00] =	vst v2;
	s0 =	smov.u32 s3  }
0x116: {  	v2 =	vld.idx.msk [tilespmem:v3+s29+$0x0], $0xffff  }
0x117: {  	v3 =	vld.idx.msk [tilespmem:v4+s29+$0x0], $0xffff;
	_ =	sdelay $0x5  }
0x118: {  	v2 =	vadd.s32 v2, v3  }
0x119: {  	v2 =	vcvt.s32.f32 v2;
	_ =	sdelay $0x1  }
0x11a: {  	v3 =	vshra.s32 v2, $0x1;
	v2 =	vmul.f32 $5.000000000e-01, v2  }
0x11b: {  	v3 =	vsub.s32 $0x5F3759DF, v3  }
0x11c: {  	v4 =	vmul.f32 v3, v2;
	_ =	sdelay $0x1  }
0x11d: {  	v4 =	vmul.f32 v3, v4;
	_ =	sdelay $0x1  }
0x11e: {  	v4 =	vsub.f32 $1.500000000e+00, v4;
	_ =	sdelay $0x1  }
0x11f: {  	v3 =	vmul.f32 v3, v4;
	_ =	sdelay $0x1  }
0x120: {  	v2 =	vmul.f32 v3, v2;
	v4 =	vld [tilespmem:s0+$0x2720]  }
0x121: {  	v5 =	vld [tilespmem:s0+$0x10]  }
0x122: {  	v2 =	vmul.f32 v2, v3;
	_ =	sdelay $0x1  }
0x123: {  	v2 =	vsub.f32 $1.500000000e+00, v2;
	_ =	sdelay $0x1  }
0x124: {  	v2 =	vmul.f32 v2, v3;
	_ =	sdelay $0x1  }
0x125: {  	[tilespmem:s0+$0xEEC0] =	vst v2  }
0x126: {  	v2 =	vld.idx.msk [tilespmem:v5+s29+$0x0], $0xffff  }
0x127: {  	v3 =	vld.idx.msk [tilespmem:v4+s29+$0x0], $0xffff;
	_ =	sdelay $0x5  }
0x128: {  	v2 =	vadd.s32 v2, v3  }
0x129: {  	v2 =	vcvt.s32.f32 v2;
	_ =	sdelay $0x1  }
0x12a: {  	v3 =	vshra.s32 v2, $0x1;
	v2 =	vmul.f32 $5.000000000e-01, v2  }
0x12b: {  	v3 =	vsub.s32 $0x5F3759DF, v3  }
0x12c: {  	v4 =	vmul.f32 v3, v2;
	_ =	sdelay $0x1  }
0x12d: {  	v4 =	vmul.f32 v3, v4;
	_ =	sdelay $0x1  }
0x12e: {  	v4 =	vsub.f32 $1.500000000e+00, v4;
	_ =	sdelay $0x1  }
0x12f: {  	v3 =	vmul.f32 v3, v4;
	_ =	sdelay $0x1  }
0x130: {  	v2 =	vmul.f32 v3, v2;
	v4 =	vld [tilespmem:s0+$0x2730]  }
0x131: {  	v5 =	vld [tilespmem:s0+$0x20]  }
0x132: {  	v2 =	vmul.f32 v2, v3;
	_ =	sdelay $0x1  }
0x133: {  	v2 =	vsub.f32 $1.500000000e+00, v2;
	_ =	sdelay $0x1  }
0x134: {  	v2 =	vmul.f32 v2, v3;
	_ =	sdelay $0x1  }
0x135: {  	[tilespmem:s0+$0xEED0] =	vst v2  }
0x136: {  	v2 =	vld.idx.msk [tilespmem:v5+s29+$0x0], $0xffff  }
0x137: {  	v3 =	vld.idx.msk [tilespmem:v4+s29+$0x0], $0xffff;
	_ =	sdelay $0x5  }
0x138: {  	v2 =	vadd.s32 v2, v3  }
0x139: {  	v2 =	vcvt.s32.f32 v2;
	_ =	sdelay $0x1  }
0x13a: {  	v3 =	vshra.s32 v2, $0x1;
	v2 =	vmul.f32 $5.000000000e-01, v2  }
0x13b: {  	v3 =	vsub.s32 $0x5F3759DF, v3  }
0x13c: {  	v4 =	vmul.f32 v3, v2;
	_ =	sdelay $0x1  }
0x13d: {  	v4 =	vmul.f32 v3, v4;
	_ =	sdelay $0x1  }
0x13e: {  	v4 =	vsub.f32 $1.500000000e+00, v4;
	_ =	sdelay $0x1  }
0x13f: {  	v3 =	vmul.f32 v3, v4;
	_ =	sdelay $0x1  }
0x140: {  	v2 =	vmul.f32 v3, v2;
	v4 =	vld [tilespmem:s0+$0x2740]  }
0x141: {  	v5 =	vld [tilespmem:s0+$0x30]  }
0x142: {  	v2 =	vmul.f32 v2, v3;
	_ =	sdelay $0x1  }
0x143: {  	v2 =	vsub.f32 $1.500000000e+00, v2;
	_ =	sdelay $0x1  }
0x144: {  	v2 =	vmul.f32 v2, v3;
	_ =	sdelay $0x1  }
0x145: {  	[tilespmem:s0+$0xEEE0] =	vst v2  }
0x146: {  	v2 =	vld.idx.msk [tilespmem:v5+s29+$0x0], $0xffff  }
0x147: {  	v3 =	vld.idx.msk [tilespmem:v4+s29+$0x0], $0xffff;
	_ =	sdelay $0x5  }
0x148: {  	v2 =	vadd.s32 v2, v3  }
0x149: {  	v2 =	vcvt.s32.f32 v2;
	_ =	sdelay $0x1  }
0x14a: {  	v3 =	vshra.s32 v2, $0x1;
	v2 =	vmul.f32 $5.000000000e-01, v2  }
0x14b: {  	v3 =	vsub.s32 $0x5F3759DF, v3  }
0x14c: {  	v4 =	vmul.f32 v3, v2;
	_ =	sdelay $0x1  }
0x14d: {  	v4 =	vmul.f32 v3, v4;
	_ =	sdelay $0x1  }
0x14e: {  	v4 =	vsub.f32 $1.500000000e+00, v4;
	_ =	sdelay $0x1  }
0x14f: {  	v3 =	vmul.f32 v3, v4;
	_ =	sdelay $0x1  }
0x150: {  	v2 =	vmul.f32 v3, v2;
	v4 =	vld [tilespmem:s0+$0x2750]  }
0x151: {  	v5 =	vld [tilespmem:s0+$0x40]  }
0x152: {  	v2 =	vmul.f32 v2, v3;
	_ =	sdelay $0x1  }
0x153: {  	v2 =	vsub.f32 $1.500000000e+00, v2;
	_ =	sdelay $0x1  }
0x154: {  	v2 =	vmul.f32 v2, v3;
	_ =	sdelay $0x1  }
0x155: {  	[tilespmem:s0+$0xEEF0] =	vst v2  }
0x156: {  	v2 =	vld.idx.msk [tilespmem:v5+s29+$0x0], $0xffff  }
0x157: {  	v3 =	vld.idx.msk [tilespmem:v4+s29+$0x0], $0xffff;
	_ =	sdelay $0x5  }
0x158: {  	v2 =	vadd.s32 v2, v3  }
0x159: {  	v2 =	vcvt.s32.f32 v2;
	_ =	sdelay $0x1  }
0x15a: {  	v3 =	vshra.s32 v2, $0x1;
	v4 =	vmul.f32 $5.000000000e-01, v2  }
0x15b: {  	v2 =	vsub.s32 $0x5F3759DF, v3  }
0x15c: {  	v3 =	vmul.f32 v2, v4;
	_ =	sdelay $0x1  }
0x15d: {  	v3 =	vmul.f32 v2, v3;
	_ =	sdelay $0x1  }
0x15e: {  	v3 =	vsub.f32 $1.500000000e+00, v3;
	_ =	sdelay $0x1  }
.Ltmp3:
0x15f: {  	v2 =	vmul.f32 v2, v3;
	(pc) =	sbr.rel @p0 .LBB2_8-.Ltmp3, $4  }
0x160: {  	_ = 	snop  }
0x161: {  	s3 =	sshra.s32 s2, $0x2;
	v5 =	vmul.f32 v2, v4  }
0x162: {  	v3 =	vld [tilespmem:s3+$0x0]  }
0x163: {  	v5 =	vmul.f32 v5, v2;
	v4 =	vld [tilespmem:s3+$0x2710]  }
0x164: {  	_ =	sdelay $0x1  }
0x165: {  	v5 =	vsub.f32 $1.500000000e+00, v5;
	_ =	sdelay $0x1  }
0x166: {  	v2 =	vmul.f32 v5, v2;
	_ =	sdelay $0x1  }
0x167: {  	[tilespmem:s0+$0xEF00] =	vst v2  }
0x168: {  	v2 =	vld.idx.msk [tilespmem:v3+s29+$0x0], $0xffff  }
0x169: {  	v3 =	vld.idx.msk [tilespmem:v4+s29+$0x0], $0xffff;
	_ =	sdelay $0x4  }
0x16a: {  	v2 =	vadd.s32 v2, v3  }
0x16b: {  	v2 =	vcvt.s32.f32 v2;
	_ =	sdelay $0x1  }
0x16c: {  	v3 =	vshra.s32 v2, $0x1;
	v2 =	vmul.f32 $5.000000000e-01, v2  }
0x16d: {  	v3 =	vsub.s32 $0x5F3759DF, v3  }
0x16e: {  	v51 =	vmul.f32 v3, v2;
	_ =	sdelay $0x1  }
0x16f: {  	v4 =	vmul.f32 v3, v51;
	_ =	sdelay $0x1  }
0x170: {  	v4 =	vsub.f32 $1.500000000e+00, v4;
	_ =	sdelay $0x1  }
0x171: {  	v3 =	vmul.f32 v3, v4;
	_ =	sdelay $0x1  }
0x172: {  	v2 =	vmul.f32 v3, v2  }
0x173: {  	v52 =	vld [tilespmem:s3+$0x10]  }
0x174: {  	v53 =	vld [tilespmem:s3+$0x2720];
	v2 =	vmul.f32 v2, v3;
	_ =	sdelay $0x1  }
0x175: {  	v2 =	vsub.f32 $1.500000000e+00, v2;
	_ =	sdelay $0x1  }
0x176: {  	v2 =	vmul.f32 v2, v3;
	_ =	sdelay $0x1  }
0x177: {  	[tilespmem:s3+$0xEEC0] =	vst v2  }
0x178: {  	v2 =	vld.idx.msk [tilespmem:v52+s29+$0x0], $0xffff  }
0x179: {  	v3 =	vld.idx.msk [tilespmem:v53+s29+$0x0], $0xffff;
	_ =	sdelay $0x4  }
0x17a: {  	v2 =	vadd.s32 v2, v3  }
0x17b: {  	v2 =	vcvt.s32.f32 v2;
	_ =	sdelay $0x1  }
0x17c: {  	v3 =	vshra.s32 v2, $0x1;
	v2 =	vmul.f32 $5.000000000e-01, v2  }
0x17d: {  	v3 =	vsub.s32 $0x5F3759DF, v3  }
0x17e: {  	v54 =	vmul.f32 v3, v2;
	_ =	sdelay $0x1  }
0x17f: {  	v4 =	vmul.f32 v3, v54;
	_ =	sdelay $0x1  }
0x180: {  	v4 =	vsub.f32 $1.500000000e+00, v4;
	_ =	sdelay $0x1  }
0x181: {  	v3 =	vmul.f32 v3, v4;
	_ =	sdelay $0x1  }
0x182: {  	v2 =	vmul.f32 v3, v2  }
0x183: {  	v55 =	vld [tilespmem:s3+$0x20]  }
0x184: {  	v56 =	vld [tilespmem:s3+$0x2730];
	v2 =	vmul.f32 v2, v3;
	_ =	sdelay $0x1  }
0x185: {  	v2 =	vsub.f32 $1.500000000e+00, v2;
	_ =	sdelay $0x1  }
0x186: {  	v2 =	vmul.f32 v2, v3;
	_ =	sdelay $0x1  }
0x187: {  	[tilespmem:s3+$0xEED0] =	vst v2  }
0x188: {  	v2 =	vld.idx.msk [tilespmem:v55+s29+$0x0], $0xffff  }
0x189: {  	v3 =	vld.idx.msk [tilespmem:v56+s29+$0x0], $0xffff;
	_ =	sdelay $0x4  }
0x18a: {  	v2 =	vadd.s32 v2, v3  }
0x18b: {  	v2 =	vcvt.s32.f32 v2;
	_ =	sdelay $0x1  }
0x18c: {  	v3 =	vshra.s32 v2, $0x1;
	v2 =	vmul.f32 $5.000000000e-01, v2  }
0x18d: {  	v3 =	vsub.s32 $0x5F3759DF, v3  }
0x18e: {  	v57 =	vmul.f32 v3, v2;
	_ =	sdelay $0x1  }
0x18f: {  	v4 =	vmul.f32 v3, v57;
	_ =	sdelay $0x1  }
0x190: {  	v4 =	vsub.f32 $1.500000000e+00, v4;
	_ =	sdelay $0x1  }
0x191: {  	v3 =	vmul.f32 v3, v4;
	_ =	sdelay $0x1  }
0x192: {  	v2 =	vmul.f32 v3, v2  }
0x193: {  	v58 =	vld [tilespmem:s3+$0x30]  }
0x194: {  	v59 =	vld [tilespmem:s3+$0x2740];
	v2 =	vmul.f32 v2, v3;
	_ =	sdelay $0x1  }
0x195: {  	v2 =	vsub.f32 $1.500000000e+00, v2;
	_ =	sdelay $0x1  }
0x196: {  	v2 =	vmul.f32 v2, v3;
	_ =	sdelay $0x1  }
0x197: {  	[tilespmem:s3+$0xEEE0] =	vst v2  }
0x198: {  	v2 =	vld.idx.msk [tilespmem:v58+s29+$0x0], $0xffff  }
0x199: {  	v3 =	vld.idx.msk [tilespmem:v59+s29+$0x0], $0xffff;
	_ =	sdelay $0x4  }
0x19a: {  	v2 =	vadd.s32 v2, v3  }
0x19b: {  	v2 =	vcvt.s32.f32 v2;
	_ =	sdelay $0x1  }
0x19c: {  	v3 =	vshra.s32 v2, $0x1;
	v2 =	vmul.f32 $5.000000000e-01, v2  }
0x19d: {  	v3 =	vsub.s32 $0x5F3759DF, v3  }
0x19e: {  	v60 =	vmul.f32 v3, v2;
	_ =	sdelay $0x1  }
0x19f: {  	v4 =	vmul.f32 v3, v60;
	_ =	sdelay $0x1  }
0x1a0: {  	v4 =	vsub.f32 $1.500000000e+00, v4;
	_ =	sdelay $0x1  }
0x1a1: {  	v3 =	vmul.f32 v3, v4;
	_ =	sdelay $0x1  }
0x1a2: {  	v2 =	vmul.f32 v3, v2  }
0x1a3: {  	v61 =	vld [tilespmem:s3+$0x40]  }
0x1a4: {  	v62 =	vld [tilespmem:s3+$0x2750];
	v2 =	vmul.f32 v2, v3;
	_ =	sdelay $0x1  }
0x1a5: {  	v2 =	vsub.f32 $1.500000000e+00, v2;
	_ =	sdelay $0x1  }
0x1a6: {  	v2 =	vmul.f32 v2, v3;
	_ =	sdelay $0x1  }
0x1a7: {  	[tilespmem:s3+$0xEEF0] =	vst v2  }
0x1a8: {  	v2 =	vld.idx.msk [tilespmem:v61+s29+$0x0], $0xffff  }
0x1a9: {  	v3 =	vld.idx.msk [tilespmem:v62+s29+$0x0], $0xffff;
	_ =	sdelay $0x4  }
0x1aa: {  	v2 =	vadd.s32 v2, v3  }
0x1ab: {  	v2 =	vcvt.s32.f32 v2;
	_ =	sdelay $0x1  }
0x1ac: {  	v3 =	vshra.s32 v2, $0x1;
	v2 =	vmul.f32 $5.000000000e-01, v2  }
0x1ad: {  	v3 =	vsub.s32 $0x5F3759DF, v3  }
0x1ae: {  	v63 =	vmul.f32 v3, v2;
	_ =	sdelay $0x1  }
0x1af: {  	v4 =	vmul.f32 v3, v63;
	_ =	sdelay $0x1  }
0x1b0: {  	v4 =	vsub.f32 $1.500000000e+00, v4;
	_ =	sdelay $0x1  }
0x1b1: {  	v3 =	vmul.f32 v3, v4;
	_ =	sdelay $0x1  }
0x1b2: {  	v2 =	vmul.f32 v3, v2;
	_ =	sdelay $0x1  }
0x1b3: {  	v2 =	vmul.f32 v2, v3;
	_ =	sdelay $0x1  }
0x1b4: {  	v2 =	vsub.f32 $1.500000000e+00, v2;
	_ =	sdelay $0x1  }
0x1b5: {  	s31 =	sadd.s32 $0x1, s31;
	v2 =	vmul.f32 v2, v3  }
0x1b6: {  	p0 =	sne.s32 s31, s25  }
.Ltmp4:
0x1b7: {  	[tilespmem:s3+$0xEF00] =	vst v2;
	s3 =	simm.s32 $0x0;
	(pc) =	sbr.rel @p0 .LBB2_1-.Ltmp4, $4  }
0x1b8: {  	[hbm4b:s22+s3] =	stream.linear.scatter [tilespmem:s30], [sflag:$0x1], $0x2710, $0x38;
	[tilespmem:$0x14050] =	vst v63  }
0x1b9: {  	_ =	swait.ge [sflag:s28], $0x2710  }
0x1ba: {  	[sflag:s28] =	ssyncset.done $0x0  }
0x1bb: {  	[sflag:s28] =	ssyncadd.s32 $0xFFFFD8F0  }
0x1bc: {  	_ =	sfence.sel $0x180000  }
0x1bd: {  	[bflag:$0x0] =	sbarrier.arrive $0xFFFF  }
0x1be: {  	_ =	strace $0x90000047  }
0x1bf: {  	s0 =	stileid.u32;
	[bflag:$0x2] =	sbarrier.arrive $0xFFFF  }
0x1c0: {  	p0 =	sne.s32 s0, $0x0;
	s0 =	rddreg [dreg:$0x4]  }
0x1c1: {  	s0 =	sadd.s32 @!p0 $0x100000, s0  }
0x1c2: {  	[sflag:s0] =	ssyncadd.tile.s32 @!p0 $0x1;
	_ =	shalt  }
.Lfunc_end2:
_tile_overlayer_lowered:
.L_overlay_start_2:
0x1c3: {  	(tag) =	ssettag $0x2  }
0x1c4: {  	s0 =	rddreg [dreg:$0x0];
	s2 =	stileid.u32  }
0x1c5: {  	s1 =	rddreg [dreg:$0x1];
	p0 =	sne.s32 s2, $0x0  }
0x1c6: {  	s3 =	rddreg [dreg:$0x2];
	[bflag:$0x3] =	sbarrier.arrive $0xFFFF;
	s2 =	simm.s32 @!p0 $0x1C01  }
0x1c7: {  	[timem:s3], [sflag:s2] =	dma.local @!p0 [hbm:s0], s1  }
0x1c8: {  	s0 =	simm.s32 @!p0 $0x1  }
0x1c9: {  	_ =	swait.ge @!p0 [sflag:s0], s1  }
0x1ca: {  	s1 =	ssub.s32 @!p0 $0x0, s1;
	[sflag:s0] =	ssyncset.done @!p0 $0x0  }
0x1cb: {  	[sflag:s0] =	ssyncadd.s32 @!p0 s1  }
0x1cc: {  	[bflag:$0x3] =	sbarrier.arrive $0xFFFF  }
0x1cd: {  	_ =	shalt  }

</sc_bundles>
